<compile_context>
chip_gen: v7x
topology: tpu7x:2x2x1
jax: 0.10.2.dev20260603
libtpu: 0.0.44.dev20260713+nightly
codegen_flags: <defaults>
</compile_context>

<pallas_src>
import functools

import jax
import jax.numpy as jnp
from jax import lax
from jax.experimental import pallas as pl
from jax.experimental.pallas import tpu as pltpu
from jax.experimental.pallas import tpu_sc as plsc

NB = 4096
NT = 200
DIM = 32
NC = 2
NS = 16
NW = NC * NS
G = 128
K = 10
N_OUTER = NT // K

_mesh = plsc.VectorSubcoreMesh(core_axis_name="c", subcore_axis_name="s")


@functools.partial(
    pl.kernel,
    out_type=jax.ShapeDtypeStruct((NT, NB, DIM), jnp.float32),
    mesh=_mesh,
    compiler_params=pltpu.CompilerParams(use_tc_tiling_on_sc=False),
    scratch_types=[
        pltpu.VMEM((NT, G), jnp.int32),
        pltpu.VMEM((K, G, DIM), jnp.float32),
        pltpu.VMEM((K, G, DIM), jnp.float32),
        pltpu.SemaphoreType.DMA,
        pltpu.SemaphoreType.DMA,
        pltpu.SemaphoreType.DMA,
        pltpu.SemaphoreType.DMA,
    ],
)
def _gather_kernel(idx_hbm, table_hbm, out_hbm, idx_all, rows0, rows1,
                   sg0, sg1, ss0, ss1):
    wid = lax.axis_index("s") * NC + lax.axis_index("c")
    b0 = wid * G

    pltpu.sync_copy(idx_hbm.at[:, pl.ds(b0, G)], idx_all)

    bufs = ((rows0, sg0, ss0), (rows1, sg1, ss1))

    def fire_gathers(c, buf, sem):
        for j in range(K):
            pltpu.async_copy(
                table_hbm.at[idx_all.at[c * K + j]],
                buf.at[j],
                sem,
            )

    def wait_gathers(buf, sem):
        pltpu.make_async_copy(out_hbm.at[pl.ds(0, K), pl.ds(0, G)], buf,
                              sem).wait()

    def store(c, buf, sem):
        return pltpu.async_copy(
            buf, out_hbm.at[pl.ds(c * K, K), pl.ds(b0, G)], sem)

    fire_gathers(0, rows0, sg0)
    fire_gathers(1, rows1, sg1)

    @pl.loop(0, N_OUTER - 2, step=2)
    def _pipe(i):
        for b in range(2):
            c = i + b
            buf, sg, ss = bufs[b]
            wait_gathers(buf, sg)
            store(c, buf, ss).wait()
            fire_gathers(c + 2, buf, sg)

    for b in range(2):
        c = N_OUTER - 2 + b
        buf, sg, ss = bufs[b]
        wait_gathers(buf, sg)
        store(c, buf, ss).wait()


def kernel(token_ids, embedding_mat):
    out_t = _gather_kernel(token_ids.T, embedding_mat)
    return out_t.transpose(1, 0, 2)

# --- scband reference (transcript-rebuilt; emitter-appended) ---
"""Pipeline reference for scband-embedding-26302379721298 (READ-ONLY COPY).

The authoritative reference and input builder live on the scoring server;
editing this copy changes nothing except your own understanding.
"""

import jax, jax.numpy as jnp
import numpy as np

NUM_EMBEDDINGS = 1000000
EMBEDDING_DIM = 32

def setup_inputs(seed: int = 0) -> dict:
    key = jax.random.key(seed)
    k_idx, k_tab = jax.random.split(key)
    token_ids = jax.random.randint(k_idx, (4096, 200), 0, NUM_EMBEDDINGS, dtype=jnp.int64 if jax.config.jax_enable_x64 else jnp.int32)
    embedding_mat = jax.random.normal(k_tab, (NUM_EMBEDDINGS, EMBEDDING_DIM), dtype=jnp.float32)
    return {"token_ids": token_ids, "embedding_mat": embedding_mat}

def reference(token_ids, embedding_mat):
    # embedding_mat[token_ids] -> gather rows
    return jnp.take(embedding_mat, token_ids, axis=0)

if __name__ == "__main__":
    import jax
    _d = setup_inputs()
    print(jax.jit(kernel)(*tuple(_d.values())))

</pallas_src>

<mosaic_0001>
#map = affine_map<(d0, d1) -> (0, 0)>
#map1 = affine_map<(d0, d1) -> (0, 0, 0)>
module attributes {stable_mosaic.version = 14 : i64} {
  func.func @_gather_kernel(%arg0: i32, %arg1: i32, %arg2: memref<200x4096xi32, #tpu.memory_space<hbm>>, %arg3: memref<1000000x32xf32, #tpu.memory_space<hbm>>, %arg4: memref<200x4096x32xf32, #tpu.memory_space<hbm>>, %arg5: memref<200x128xi32, #tpu.memory_space<vmem>>, %arg6: memref<10x128x32xf32, #tpu.memory_space<vmem>>, %arg7: memref<10x128x32xf32, #tpu.memory_space<vmem>>, %arg8: memref<!tpu.dma_semaphore, #tpu.memory_space<semaphore_mem>>, %arg9: memref<!tpu.dma_semaphore, #tpu.memory_space<semaphore_mem>>, %arg10: memref<!tpu.dma_semaphore, #tpu.memory_space<semaphore_mem>>, %arg11: memref<!tpu.dma_semaphore, #tpu.memory_space<semaphore_mem>>) attributes {dimension_semantics = [#tpu.dimension_semantics<core_parallel>, #tpu.dimension_semantics<subcore_parallel>], iteration_bounds = array<i64: 2, 16>, scalar_prefetch = 0 : i64, scratch_operands = 7 : i64, tpu.core_type = #tpu.core_type<sc_vector_subcore>, window_params = [{transform_indices = #map}, {transform_indices = #map}, {transform_indices = #map1}]} {
    %mul3A = arith.constant 2 : i32
    %mul3A_0 = arith.muli %arg1, %mul3A : i32
    %add3A = arith.addi %mul3A_0, %arg0 : i32
    %mul3A_1 = arith.constant 128 : i32
    %mul3A_2 = arith.muli %add3A, %mul3A_1 : i32
    "tpu.region"() ({
      %run_scoped3A = tpu.sem_alloc : memref<!tpu.dma_semaphore, #tpu.memory_space<semaphore_mem>>
      %dma_start3A_285 = arith.constant 0 : i32
      %dma_start3A_286 = tpu.memref_slice %arg2[%dma_start3A_285, %mul3A_2] : memref<200x4096xi32, #tpu.memory_space<hbm>> -> memref<200x128xi32, #tpu.memory_space<hbm>>
      %dma_start3A_287 = arith.constant 0 : i32
      %dma_start3A_288 = tpu.memref_slice %arg2[%dma_start3A_287, %mul3A_2] : memref<200x4096xi32, #tpu.memory_space<hbm>> -> memref<200x128xi32, #tpu.memory_space<hbm>>
      tpu.enqueue_dma source(%dma_start3A_288 : memref<200x128xi32, #tpu.memory_space<hbm>>) target(%arg5 : memref<200x128xi32, #tpu.memory_space<vmem>>) target_semaphore(%run_scoped3A : memref<!tpu.dma_semaphore, #tpu.memory_space<semaphore_mem>>)
      %dma_wait3A_289 = arith.constant 0 : i32
      %dma_wait3A_290 = tpu.memref_slice %arg2[%dma_wait3A_289, %mul3A_2] : memref<200x4096xi32, #tpu.memory_space<hbm>> -> memref<200x128xi32, #tpu.memory_space<hbm>>
      %dma_wait3A_291 = arith.constant 0 : i32
      %dma_wait3A_292 = tpu.memref_slice %arg2[%dma_wait3A_291, %mul3A_2] : memref<200x4096xi32, #tpu.memory_space<hbm>> -> memref<200x128xi32, #tpu.memory_space<hbm>>
      tpu.wait_dma2 semaphore(%run_scoped3A : memref<!tpu.dma_semaphore, #tpu.memory_space<semaphore_mem>>) src(%dma_wait3A_292 : memref<200x128xi32, #tpu.memory_space<hbm>>) dst(%arg5 : memref<200x128xi32, #tpu.memory_space<vmem>>)
      tpu.yield
    }) : () -> ()
    %dma_start3A = arith.constant 0 : i32
    %dma_start3A_3 = arith.constant 0 : i32
    %dma_start3A_4 = arith.constant 0 : i32
    %dma_start3A_5 = arith.constant 0 : i32
    %dma_start3A_6 = tpu.memref_slice %arg6[%dma_start3A_3, %dma_start3A_4, %dma_start3A_5] : memref<10x128x32xf32, #tpu.memory_space<vmem>> -> memref<1x128x32xf32, #tpu.memory_space<vmem>>
    %dma_start3A_7 = tpu.memref_squeeze %dma_start3A_6 : memref<1x128x32xf32, #tpu.memory_space<vmem>> -> memref<128x32xf32, #tpu.memory_space<vmem>>
    %dma_start3A_8 = arith.constant 0 : i32
    %dma_start3A_9 = tpu.memref_slice %arg5[%dma_start3A, %dma_start3A_8] : memref<200x128xi32, #tpu.memory_space<vmem>> -> memref<1x128xi32, #tpu.memory_space<vmem>>
    %dma_start3A_10 = tpu.memref_squeeze %dma_start3A_9 : memref<1x128xi32, #tpu.memory_space<vmem>> -> memref<128xi32, #tpu.memory_space<vmem>>
    %dma_start3A_11 = arith.constant 0 : i32
    %dma_start3A_12 = arith.constant 0 : i32
    %dma_start3A_13 = tpu.memref_slice %arg3[%dma_start3A_11, %dma_start3A_12] : memref<1000000x32xf32, #tpu.memory_space<hbm>> -> memref<1000000x32xf32, #tpu.memory_space<hbm>>
    tpu.enqueue_indirect_dma source(%dma_start3A_13 : memref<1000000x32xf32, #tpu.memory_space<hbm>>) target(%dma_start3A_7 : memref<128x32xf32, #tpu.memory_space<vmem>>) offsets(%dma_start3A_10 : memref<128xi32, #tpu.memory_space<vmem>>) semaphore(%arg8 : memref<!tpu.dma_semaphore, #tpu.memory_space<semaphore_mem>>)
    %dma_start3A_14 = arith.constant 1 : i32
    %dma_start3A_15 = arith.constant 1 : i32
    %dma_start3A_16 = arith.constant 0 : i32
    %dma_start3A_17 = arith.constant 0 : i32
    %dma_start3A_18 = tpu.memref_slice %arg6[%dma_start3A_15, %dma_start3A_16, %dma_start3A_17] : memref<10x128x32xf32, #tpu.memory_space<vmem>> -> memref<1x128x32xf32, #tpu.memory_space<vmem>>
    %dma_start3A_19 = tpu.memref_squeeze %dma_start3A_18 : memref<1x128x32xf32, #tpu.memory_space<vmem>> -> memref<128x32xf32, #tpu.memory_space<vmem>>
    %dma_start3A_20 = arith.constant 0 : i32
    %dma_start3A_21 = tpu.memref_slice %arg5[%dma_start3A_14, %dma_start3A_20] : memref<200x128xi32, #tpu.memory_space<vmem>> -> memref<1x128xi32, #tpu.memory_space<vmem>>
    %dma_start3A_22 = tpu.memref_squeeze %dma_start3A_21 : memref<1x128xi32, #tpu.memory_space<vmem>> -> memref<128xi32, #tpu.memory_space<vmem>>
    %dma_start3A_23 = arith.constant 0 : i32
    %dma_start3A_24 = arith.constant 0 : i32
    %dma_start3A_25 = tpu.memref_slice %arg3[%dma_start3A_23, %dma_start3A_24] : memref<1000000x32xf32, #tpu.memory_space<hbm>> -> memref<1000000x32xf32, #tpu.memory_space<hbm>>
    tpu.enqueue_indirect_dma source(%dma_start3A_25 : memref<1000000x32xf32, #tpu.memory_space<hbm>>) target(%dma_start3A_19 : memref<128x32xf32, #tpu.memory_space<vmem>>) offsets(%dma_start3A_22 : memref<128xi32, #tpu.memory_space<vmem>>) semaphore(%arg8 : memref<!tpu.dma_semaphore, #tpu.memory_space<semaphore_mem>>)
    %dma_start3A_26 = arith.constant 2 : i32
    %dma_start3A_27 = arith.constant 2 : i32
    %dma_start3A_28 = arith.constant 0 : i32
    %dma_start3A_29 = arith.constant 0 : i32
    %dma_start3A_30 = tpu.memref_slice %arg6[%dma_start3A_27, %dma_start3A_28, %dma_start3A_29] : memref<10x128x32xf32, #tpu.memory_space<vmem>> -> memref<1x128x32xf32, #tpu.memory_space<vmem>>
    %dma_start3A_31 = tpu.memref_squeeze %dma_start3A_30 : memref<1x128x32xf32, #tpu.memory_space<vmem>> -> memref<128x32xf32, #tpu.memory_space<vmem>>
    %dma_start3A_32 = arith.constant 0 : i32
    %dma_start3A_33 = tpu.memref_slice %arg5[%dma_start3A_26, %dma_start3A_32] : memref<200x128xi32, #tpu.memory_space<vmem>> -> memref<1x128xi32, #tpu.memory_space<vmem>>
    %dma_start3A_34 = tpu.memref_squeeze %dma_start3A_33 : memref<1x128xi32, #tpu.memory_space<vmem>> -> memref<128xi32, #tpu.memory_space<vmem>>
    %dma_start3A_35 = arith.constant 0 : i32
    %dma_start3A_36 = arith.constant 0 : i32
    %dma_start3A_37 = tpu.memref_slice %arg3[%dma_start3A_35, %dma_start3A_36] : memref<1000000x32xf32, #tpu.memory_space<hbm>> -> memref<1000000x32xf32, #tpu.memory_space<hbm>>
    tpu.enqueue_indirect_dma source(%dma_start3A_37 : memref<1000000x32xf32, #tpu.memory_space<hbm>>) target(%dma_start3A_31 : memref<128x32xf32, #tpu.memory_space<vmem>>) offsets(%dma_start3A_34 : memref<128xi32, #tpu.memory_space<vmem>>) semaphore(%arg8 : memref<!tpu.dma_semaphore, #tpu.memory_space<semaphore_mem>>)
    %dma_start3A_38 = arith.constant 3 : i32
    %dma_start3A_39 = arith.constant 3 : i32
    %dma_start3A_40 = arith.constant 0 : i32
    %dma_start3A_41 = arith.constant 0 : i32
    %dma_start3A_42 = tpu.memref_slice %arg6[%dma_start3A_39, %dma_start3A_40, %dma_start3A_41] : memref<10x128x32xf32, #tpu.memory_space<vmem>> -> memref<1x128x32xf32, #tpu.memory_space<vmem>>
    %dma_start3A_43 = tpu.memref_squeeze %dma_start3A_42 : memref<1x128x32xf32, #tpu.memory_space<vmem>> -> memref<128x32xf32, #tpu.memory_space<vmem>>
    %dma_start3A_44 = arith.constant 0 : i32
    %dma_start3A_45 = tpu.memref_slice %arg5[%dma_start3A_38, %dma_start3A_44] : memref<200x128xi32, #tpu.memory_space<vmem>> -> memref<1x128xi32, #tpu.memory_space<vmem>>
    %dma_start3A_46 = tpu.memref_squeeze %dma_start3A_45 : memref<1x128xi32, #tpu.memory_space<vmem>> -> memref<128xi32, #tpu.memory_space<vmem>>
    %dma_start3A_47 = arith.constant 0 : i32
    %dma_start3A_48 = arith.constant 0 : i32
    %dma_start3A_49 = tpu.memref_slice %arg3[%dma_start3A_47, %dma_start3A_48] : memref<1000000x32xf32, #tpu.memory_space<hbm>> -> memref<1000000x32xf32, #tpu.memory_space<hbm>>
    tpu.enqueue_indirect_dma source(%dma_start3A_49 : memref<1000000x32xf32, #tpu.memory_space<hbm>>) target(%dma_start3A_43 : memref<128x32xf32, #tpu.memory_space<vmem>>) offsets(%dma_start3A_46 : memref<128xi32, #tpu.memory_space<vmem>>) semaphore(%arg8 : memref<!tpu.dma_semaphore, #tpu.memory_space<semaphore_mem>>)
    %dma_start3A_50 = arith.constant 4 : i32
    %dma_start3A_51 = arith.constant 4 : i32
    %dma_start3A_52 = arith.constant 0 : i32
    %dma_start3A_53 = arith.constant 0 : i32
    %dma_start3A_54 = tpu.memref_slice %arg6[%dma_start3A_51, %dma_start3A_52, %dma_start3A_53] : memref<10x128x32xf32, #tpu.memory_space<vmem>> -> memref<1x128x32xf32, #tpu.memory_space<vmem>>
    %dma_start3A_55 = tpu.memref_squeeze %dma_start3A_54 : memref<1x128x32xf32, #tpu.memory_space<vmem>> -> memref<128x32xf32, #tpu.memory_space<vmem>>
    %dma_start3A_56 = arith.constant 0 : i32
    %dma_start3A_57 = tpu.memref_slice %arg5[%dma_start3A_50, %dma_start3A_56] : memref<200x128xi32, #tpu.memory_space<vmem>> -> memref<1x128xi32, #tpu.memory_space<vmem>>
    %dma_start3A_58 = tpu.memref_squeeze %dma_start3A_57 : memref<1x128xi32, #tpu.memory_space<vmem>> -> memref<128xi32, #tpu.memory_space<vmem>>
    %dma_start3A_59 = arith.constant 0 : i32
    %dma_start3A_60 = arith.constant 0 : i32
    %dma_start3A_61 = tpu.memref_slice %arg3[%dma_start3A_59, %dma_start3A_60] : memref<1000000x32xf32, #tpu.memory_space<hbm>> -> memref<1000000x32xf32, #tpu.memory_space<hbm>>
    tpu.enqueue_indirect_dma source(%dma_start3A_61 : memref<1000000x32xf32, #tpu.memory_space<hbm>>) target(%dma_start3A_55 : memref<128x32xf32, #tpu.memory_space<vmem>>) offsets(%dma_start3A_58 : memref<128xi32, #tpu.memory_space<vmem>>) semaphore(%arg8 : memref<!tpu.dma_semaphore, #tpu.memory_space<semaphore_mem>>)
    %dma_start3A_62 = arith.constant 5 : i32
    %dma_start3A_63 = arith.constant 5 : i32
    %dma_start3A_64 = arith.constant 0 : i32
    %dma_start3A_65 = arith.constant 0 : i32
    %dma_start3A_66 = tpu.memref_slice %arg6[%dma_start3A_63, %dma_start3A_64, %dma_start3A_65] : memref<10x128x32xf32, #tpu.memory_space<vmem>> -> memref<1x128x32xf32, #tpu.memory_space<vmem>>
    %dma_start3A_67 = tpu.memref_squeeze %dma_start3A_66 : memref<1x128x32xf32, #tpu.memory_space<vmem>> -> memref<128x32xf32, #tpu.memory_space<vmem>>
    %dma_start3A_68 = arith.constant 0 : i32
    %dma_start3A_69 = tpu.memref_slice %arg5[%dma_start3A_62, %dma_start3A_68] : memref<200x128xi32, #tpu.memory_space<vmem>> -> memref<1x128xi32, #tpu.memory_space<vmem>>
    %dma_start3A_70 = tpu.memref_squeeze %dma_start3A_69 : memref<1x128xi32, #tpu.memory_space<vmem>> -> memref<128xi32, #tpu.memory_space<vmem>>
    %dma_start3A_71 = arith.constant 0 : i32
    %dma_start3A_72 = arith.constant 0 : i32
    %dma_start3A_73 = tpu.memref_slice %arg3[%dma_start3A_71, %dma_start3A_72] : memref<1000000x32xf32, #tpu.memory_space<hbm>> -> memref<1000000x32xf32, #tpu.memory_space<hbm>>
    tpu.enqueue_indirect_dma source(%dma_start3A_73 : memref<1000000x32xf32, #tpu.memory_space<hbm>>) target(%dma_start3A_67 : memref<128x32xf32, #tpu.memory_space<vmem>>) offsets(%dma_start3A_70 : memref<128xi32, #tpu.memory_space<vmem>>) semaphore(%arg8 : memref<!tpu.dma_semaphore, #tpu.memory_space<semaphore_mem>>)
    %dma_start3A_74 = arith.constant 6 : i32
    %dma_start3A_75 = arith.constant 6 : i32
    %dma_start3A_76 = arith.constant 0 : i32
    %dma_start3A_77 = arith.constant 0 : i32
    %dma_start3A_78 = tpu.memref_slice %arg6[%dma_start3A_75, %dma_start3A_76, %dma_start3A_77] : memref<10x128x32xf32, #tpu.memory_space<vmem>> -> memref<1x128x32xf32, #tpu.memory_space<vmem>>
    %dma_start3A_79 = tpu.memref_squeeze %dma_start3A_78 : memref<1x128x32xf32, #tpu.memory_space<vmem>> -> memref<128x32xf32, #tpu.memory_space<vmem>>
    %dma_start3A_80 = arith.constant 0 : i32
    %dma_start3A_81 = tpu.memref_slice %arg5[%dma_start3A_74, %dma_start3A_80] : memref<200x128xi32, #tpu.memory_space<vmem>> -> memref<1x128xi32, #tpu.memory_space<vmem>>
    %dma_start3A_82 = tpu.memref_squeeze %dma_start3A_81 : memref<1x128xi32, #tpu.memory_space<vmem>> -> memref<128xi32, #tpu.memory_space<vmem>>
    %dma_start3A_83 = arith.constant 0 : i32
    %dma_start3A_84 = arith.constant 0 : i32
    %dma_start3A_85 = tpu.memref_slice %arg3[%dma_start3A_83, %dma_start3A_84] : memref<1000000x32xf32, #tpu.memory_space<hbm>> -> memref<1000000x32xf32, #tpu.memory_space<hbm>>
    tpu.enqueue_indirect_dma source(%dma_start3A_85 : memref<1000000x32xf32, #tpu.memory_space<hbm>>) target(%dma_start3A_79 : memref<128x32xf32, #tpu.memory_space<vmem>>) offsets(%dma_start3A_82 : memref<128xi32, #tpu.memory_space<vmem>>) semaphore(%arg8 : memref<!tpu.dma_semaphore, #tpu.memory_space<semaphore_mem>>)
    %dma_start3A_86 = arith.constant 7 : i32
    %dma_start3A_87 = arith.constant 7 : i32
    %dma_start3A_88 = arith.constant 0 : i32
    %dma_start3A_89 = arith.constant 0 : i32
    %dma_start3A_90 = tpu.memref_slice %arg6[%dma_start3A_87, %dma_start3A_88, %dma_start3A_89] : memref<10x128x32xf32, #tpu.memory_space<vmem>> -> memref<1x128x32xf32, #tpu.memory_space<vmem>>
    %dma_start3A_91 = tpu.memref_squeeze %dma_start3A_90 : memref<1x128x32xf32, #tpu.memory_space<vmem>> -> memref<128x32xf32, #tpu.memory_space<vmem>>
    %dma_start3A_92 = arith.constant 0 : i32
    %dma_start3A_93 = tpu.memref_slice %arg5[%dma_start3A_86, %dma_start3A_92] : memref<200x128xi32, #tpu.memory_space<vmem>> -> memref<1x128xi32, #tpu.memory_space<vmem>>
    %dma_start3A_94 = tpu.memref_squeeze %dma_start3A_93 : memref<1x128xi32, #tpu.memory_space<vmem>> -> memref<128xi32, #tpu.memory_space<vmem>>
    %dma_start3A_95 = arith.constant 0 : i32
    %dma_start3A_96 = arith.constant 0 : i32
    %dma_start3A_97 = tpu.memref_slice %arg3[%dma_start3A_95, %dma_start3A_96] : memref<1000000x32xf32, #tpu.memory_space<hbm>> -> memref<1000000x32xf32, #tpu.memory_space<hbm>>
    tpu.enqueue_indirect_dma source(%dma_start3A_97 : memref<1000000x32xf32, #tpu.memory_space<hbm>>) target(%dma_start3A_91 : memref<128x32xf32, #tpu.memory_space<vmem>>) offsets(%dma_start3A_94 : memref<128xi32, #tpu.memory_space<vmem>>) semaphore(%arg8 : memref<!tpu.dma_semaphore, #tpu.memory_space<semaphore_mem>>)
    %dma_start3A_98 = arith.constant 8 : i32
    %dma_start3A_99 = arith.constant 8 : i32
    %dma_start3A_100 = arith.constant 0 : i32
    %dma_start3A_101 = arith.constant 0 : i32
    %dma_start3A_102 = tpu.memref_slice %arg6[%dma_start3A_99, %dma_start3A_100, %dma_start3A_101] : memref<10x128x32xf32, #tpu.memory_space<vmem>> -> memref<1x128x32xf32, #tpu.memory_space<vmem>>
    %dma_start3A_103 = tpu.memref_squeeze %dma_start3A_102 : memref<1x128x32xf32, #tpu.memory_space<vmem>> -> memref<128x32xf32, #tpu.memory_space<vmem>>
    %dma_start3A_104 = arith.constant 0 : i32
    %dma_start3A_105 = tpu.memref_slice %arg5[%dma_start3A_98, %dma_start3A_104] : memref<200x128xi32, #tpu.memory_space<vmem>> -> memref<1x128xi32, #tpu.memory_space<vmem>>
    %dma_start3A_106 = tpu.memref_squeeze %dma_start3A_105 : memref<1x128xi32, #tpu.memory_space<vmem>> -> memref<128xi32, #tpu.memory_space<vmem>>
    %dma_start3A_107 = arith.constant 0 : i32
    %dma_start3A_108 = arith.constant 0 : i32
    %dma_start3A_109 = tpu.memref_slice %arg3[%dma_start3A_107, %dma_start3A_108] : memref<1000000x32xf32, #tpu.memory_space<hbm>> -> memref<1000000x32xf32, #tpu.memory_space<hbm>>
    tpu.enqueue_indirect_dma source(%dma_start3A_109 : memref<1000000x32xf32, #tpu.memory_space<hbm>>) target(%dma_start3A_103 : memref<128x32xf32, #tpu.memory_space<vmem>>) offsets(%dma_start3A_106 : memref<128xi32, #tpu.memory_space<vmem>>) semaphore(%arg8 : memref<!tpu.dma_semaphore, #tpu.memory_space<semaphore_mem>>)
    %dma_start3A_110 = arith.constant 9 : i32
    %dma_start3A_111 = arith.constant 9 : i32
    %dma_start3A_112 = arith.constant 0 : i32
    %dma_start3A_113 = arith.constant 0 : i32
    %dma_start3A_114 = tpu.memref_slice %arg6[%dma_start3A_111, %dma_start3A_112, %dma_start3A_113] : memref<10x128x32xf32, #tpu.memory_space<vmem>> -> memref<1x128x32xf32, #tpu.memory_space<vmem>>
    %dma_start3A_115 = tpu.memref_squeeze %dma_start3A_114 : memref<1x128x32xf32, #tpu.memory_space<vmem>> -> memref<128x32xf32, #tpu.memory_space<vmem>>
    %dma_start3A_116 = arith.constant 0 : i32
    %dma_start3A_117 = tpu.memref_slice %arg5[%dma_start3A_110, %dma_start3A_116] : memref<200x128xi32, #tpu.memory_space<vmem>> -> memref<1x128xi32, #tpu.memory_space<vmem>>
    %dma_start3A_118 = tpu.memref_squeeze %dma_start3A_117 : memref<1x128xi32, #tpu.memory_space<vmem>> -> memref<128xi32, #tpu.memory_space<vmem>>
    %dma_start3A_119 = arith.constant 0 : i32
    %dma_start3A_120 = arith.constant 0 : i32
    %dma_start3A_121 = tpu.memref_slice %arg3[%dma_start3A_119, %dma_start3A_120] : memref<1000000x32xf32, #tpu.memory_space<hbm>> -> memref<1000000x32xf32, #tpu.memory_space<hbm>>
    tpu.enqueue_indirect_dma source(%dma_start3A_121 : memref<1000000x32xf32, #tpu.memory_space<hbm>>) target(%dma_start3A_115 : memref<128x32xf32, #tpu.memory_space<vmem>>) offsets(%dma_start3A_118 : memref<128xi32, #tpu.memory_space<vmem>>) semaphore(%arg8 : memref<!tpu.dma_semaphore, #tpu.memory_space<semaphore_mem>>)
    %dma_start3A_122 = arith.constant 10 : i32
    %dma_start3A_123 = arith.constant 0 : i32
    %dma_start3A_124 = arith.constant 0 : i32
    %dma_start3A_125 = arith.constant 0 : i32
    %dma_start3A_126 = tpu.memref_slice %arg7[%dma_start3A_123, %dma_start3A_124, %dma_start3A_125] : memref<10x128x32xf32, #tpu.memory_space<vmem>> -> memref<1x128x32xf32, #tpu.memory_space<vmem>>
    %dma_start3A_127 = tpu.memref_squeeze %dma_start3A_126 : memref<1x128x32xf32, #tpu.memory_space<vmem>> -> memref<128x32xf32, #tpu.memory_space<vmem>>
    %dma_start3A_128 = arith.constant 0 : i32
    %dma_start3A_129 = tpu.memref_slice %arg5[%dma_start3A_122, %dma_start3A_128] : memref<200x128xi32, #tpu.memory_space<vmem>> -> memref<1x128xi32, #tpu.memory_space<vmem>>
    %dma_start3A_130 = tpu.memref_squeeze %dma_start3A_129 : memref<1x128xi32, #tpu.memory_space<vmem>> -> memref<128xi32, #tpu.memory_space<vmem>>
    %dma_start3A_131 = arith.constant 0 : i32
    %dma_start3A_132 = arith.constant 0 : i32
    %dma_start3A_133 = tpu.memref_slice %arg3[%dma_start3A_131, %dma_start3A_132] : memref<1000000x32xf32, #tpu.memory_space<hbm>> -> memref<1000000x32xf32, #tpu.memory_space<hbm>>
    tpu.enqueue_indirect_dma source(%dma_start3A_133 : memref<1000000x32xf32, #tpu.memory_space<hbm>>) target(%dma_start3A_127 : memref<128x32xf32, #tpu.memory_space<vmem>>) offsets(%dma_start3A_130 : memref<128xi32, #tpu.memory_space<vmem>>) semaphore(%arg9 : memref<!tpu.dma_semaphore, #tpu.memory_space<semaphore_mem>>)
    %dma_start3A_134 = arith.constant 11 : i32
    %dma_start3A_135 = arith.constant 1 : i32
    %dma_start3A_136 = arith.constant 0 : i32
    %dma_start3A_137 = arith.constant 0 : i32
    %dma_start3A_138 = tpu.memref_slice %arg7[%dma_start3A_135, %dma_start3A_136, %dma_start3A_137] : memref<10x128x32xf32, #tpu.memory_space<vmem>> -> memref<1x128x32xf32, #tpu.memory_space<vmem>>
    %dma_start3A_139 = tpu.memref_squeeze %dma_start3A_138 : memref<1x128x32xf32, #tpu.memory_space<vmem>> -> memref<128x32xf32, #tpu.memory_space<vmem>>
    %dma_start3A_140 = arith.constant 0 : i32
    %dma_start3A_141 = tpu.memref_slice %arg5[%dma_start3A_134, %dma_start3A_140] : memref<200x128xi32, #tpu.memory_space<vmem>> -> memref<1x128xi32, #tpu.memory_space<vmem>>
    %dma_start3A_142 = tpu.memref_squeeze %dma_start3A_141 : memref<1x128xi32, #tpu.memory_space<vmem>> -> memref<128xi32, #tpu.memory_space<vmem>>
    %dma_start3A_143 = arith.constant 0 : i32
    %dma_start3A_144 = arith.constant 0 : i32
    %dma_start3A_145 = tpu.memref_slice %arg3[%dma_start3A_143, %dma_start3A_144] : memref<1000000x32xf32, #tpu.memory_space<hbm>> -> memref<1000000x32xf32, #tpu.memory_space<hbm>>
    tpu.enqueue_indirect_dma source(%dma_start3A_145 : memref<1000000x32xf32, #tpu.memory_space<hbm>>) target(%dma_start3A_139 : memref<128x32xf32, #tpu.memory_space<vmem>>) offsets(%dma_start3A_142 : memref<128xi32, #tpu.memory_space<vmem>>) semaphore(%arg9 : memref<!tpu.dma_semaphore, #tpu.memory_space<semaphore_mem>>)
    %dma_start3A_146 = arith.constant 12 : i32
    %dma_start3A_147 = arith.constant 2 : i32
    %dma_start3A_148 = arith.constant 0 : i32
    %dma_start3A_149 = arith.constant 0 : i32
    %dma_start3A_150 = tpu.memref_slice %arg7[%dma_start3A_147, %dma_start3A_148, %dma_start3A_149] : memref<10x128x32xf32, #tpu.memory_space<vmem>> -> memref<1x128x32xf32, #tpu.memory_space<vmem>>
    %dma_start3A_151 = tpu.memref_squeeze %dma_start3A_150 : memref<1x128x32xf32, #tpu.memory_space<vmem>> -> memref<128x32xf32, #tpu.memory_space<vmem>>
    %dma_start3A_152 = arith.constant 0 : i32
    %dma_start3A_153 = tpu.memref_slice %arg5[%dma_start3A_146, %dma_start3A_152] : memref<200x128xi32, #tpu.memory_space<vmem>> -> memref<1x128xi32, #tpu.memory_space<vmem>>
    %dma_start3A_154 = tpu.memref_squeeze %dma_start3A_153 : memref<1x128xi32, #tpu.memory_space<vmem>> -> memref<128xi32, #tpu.memory_space<vmem>>
    %dma_start3A_155 = arith.constant 0 : i32
    %dma_start3A_156 = arith.constant 0 : i32
    %dma_start3A_157 = tpu.memref_slice %arg3[%dma_start3A_155, %dma_start3A_156] : memref<1000000x32xf32, #tpu.memory_space<hbm>> -> memref<1000000x32xf32, #tpu.memory_space<hbm>>
    tpu.enqueue_indirect_dma source(%dma_start3A_157 : memref<1000000x32xf32, #tpu.memory_space<hbm>>) target(%dma_start3A_151 : memref<128x32xf32, #tpu.memory_space<vmem>>) offsets(%dma_start3A_154 : memref<128xi32, #tpu.memory_space<vmem>>) semaphore(%arg9 : memref<!tpu.dma_semaphore, #tpu.memory_space<semaphore_mem>>)
    %dma_start3A_158 = arith.constant 13 : i32
    %dma_start3A_159 = arith.constant 3 : i32
    %dma_start3A_160 = arith.constant 0 : i32
    %dma_start3A_161 = arith.constant 0 : i32
    %dma_start3A_162 = tpu.memref_slice %arg7[%dma_start3A_159, %dma_start3A_160, %dma_start3A_161] : memref<10x128x32xf32, #tpu.memory_space<vmem>> -> memref<1x128x32xf32, #tpu.memory_space<vmem>>
    %dma_start3A_163 = tpu.memref_squeeze %dma_start3A_162 : memref<1x128x32xf32, #tpu.memory_space<vmem>> -> memref<128x32xf32, #tpu.memory_space<vmem>>
    %dma_start3A_164 = arith.constant 0 : i32
    %dma_start3A_165 = tpu.memref_slice %arg5[%dma_start3A_158, %dma_start3A_164] : memref<200x128xi32, #tpu.memory_space<vmem>> -> memref<1x128xi32, #tpu.memory_space<vmem>>
    %dma_start3A_166 = tpu.memref_squeeze %dma_start3A_165 : memref<1x128xi32, #tpu.memory_space<vmem>> -> memref<128xi32, #tpu.memory_space<vmem>>
    %dma_start3A_167 = arith.constant 0 : i32
    %dma_start3A_168 = arith.constant 0 : i32
    %dma_start3A_169 = tpu.memref_slice %arg3[%dma_start3A_167, %dma_start3A_168] : memref<1000000x32xf32, #tpu.memory_space<hbm>> -> memref<1000000x32xf32, #tpu.memory_space<hbm>>
    tpu.enqueue_indirect_dma source(%dma_start3A_169 : memref<1000000x32xf32, #tpu.memory_space<hbm>>) target(%dma_start3A_163 : memref<128x32xf32, #tpu.memory_space<vmem>>) offsets(%dma_start3A_166 : memref<128xi32, #tpu.memory_space<vmem>>) semaphore(%arg9 : memref<!tpu.dma_semaphore, #tpu.memory_space<semaphore_mem>>)
    %dma_start3A_170 = arith.constant 14 : i32
    %dma_start3A_171 = arith.constant 4 : i32
    %dma_start3A_172 = arith.constant 0 : i32
    %dma_start3A_173 = arith.constant 0 : i32
    %dma_start3A_174 = tpu.memref_slice %arg7[%dma_start3A_171, %dma_start3A_172, %dma_start3A_173] : memref<10x128x32xf32, #tpu.memory_space<vmem>> -> memref<1x128x32xf32, #tpu.memory_space<vmem>>
    %dma_start3A_175 = tpu.memref_squeeze %dma_start3A_174 : memref<1x128x32xf32, #tpu.memory_space<vmem>> -> memref<128x32xf32, #tpu.memory_space<vmem>>
    %dma_start3A_176 = arith.constant 0 : i32
    %dma_start3A_177 = tpu.memref_slice %arg5[%dma_start3A_170, %dma_start3A_176] : memref<200x128xi32, #tpu.memory_space<vmem>> -> memref<1x128xi32, #tpu.memory_space<vmem>>
    %dma_start3A_178 = tpu.memref_squeeze %dma_start3A_177 : memref<1x128xi32, #tpu.memory_space<vmem>> -> memref<128xi32, #tpu.memory_space<vmem>>
    %dma_start3A_179 = arith.constant 0 : i32
    %dma_start3A_180 = arith.constant 0 : i32
    %dma_start3A_181 = tpu.memref_slice %arg3[%dma_start3A_179, %dma_start3A_180] : memref<1000000x32xf32, #tpu.memory_space<hbm>> -> memref<1000000x32xf32, #tpu.memory_space<hbm>>
    tpu.enqueue_indirect_dma source(%dma_start3A_181 : memref<1000000x32xf32, #tpu.memory_space<hbm>>) target(%dma_start3A_175 : memref<128x32xf32, #tpu.memory_space<vmem>>) offsets(%dma_start3A_178 : memref<128xi32, #tpu.memory_space<vmem>>) semaphore(%arg9 : memref<!tpu.dma_semaphore, #tpu.memory_space<semaphore_mem>>)
    %dma_start3A_182 = arith.constant 15 : i32
    %dma_start3A_183 = arith.constant 5 : i32
    %dma_start3A_184 = arith.constant 0 : i32
    %dma_start3A_185 = arith.constant 0 : i32
    %dma_start3A_186 = tpu.memref_slice %arg7[%dma_start3A_183, %dma_start3A_184, %dma_start3A_185] : memref<10x128x32xf32, #tpu.memory_space<vmem>> -> memref<1x128x32xf32, #tpu.memory_space<vmem>>
    %dma_start3A_187 = tpu.memref_squeeze %dma_start3A_186 : memref<1x128x32xf32, #tpu.memory_space<vmem>> -> memref<128x32xf32, #tpu.memory_space<vmem>>
    %dma_start3A_188 = arith.constant 0 : i32
    %dma_start3A_189 = tpu.memref_slice %arg5[%dma_start3A_182, %dma_start3A_188] : memref<200x128xi32, #tpu.memory_space<vmem>> -> memref<1x128xi32, #tpu.memory_space<vmem>>
    %dma_start3A_190 = tpu.memref_squeeze %dma_start3A_189 : memref<1x128xi32, #tpu.memory_space<vmem>> -> memref<128xi32, #tpu.memory_space<vmem>>
    %dma_start3A_191 = arith.constant 0 : i32
    %dma_start3A_192 = arith.constant 0 : i32
    %dma_start3A_193 = tpu.memref_slice %arg3[%dma_start3A_191, %dma_start3A_192] : memref<1000000x32xf32, #tpu.memory_space<hbm>> -> memref<1000000x32xf32, #tpu.memory_space<hbm>>
    tpu.enqueue_indirect_dma source(%dma_start3A_193 : memref<1000000x32xf32, #tpu.memory_space<hbm>>) target(%dma_start3A_187 : memref<128x32xf32, #tpu.memory_space<vmem>>) offsets(%dma_start3A_190 : memref<128xi32, #tpu.memory_space<vmem>>) semaphore(%arg9 : memref<!tpu.dma_semaphore, #tpu.memory_space<semaphore_mem>>)
    %dma_start3A_194 = arith.constant 16 : i32
    %dma_start3A_195 = arith.constant 6 : i32
    %dma_start3A_196 = arith.constant 0 : i32
    %dma_start3A_197 = arith.constant 0 : i32
    %dma_start3A_198 = tpu.memref_slice %arg7[%dma_start3A_195, %dma_start3A_196, %dma_start3A_197] : memref<10x128x32xf32, #tpu.memory_space<vmem>> -> memref<1x128x32xf32, #tpu.memory_space<vmem>>
    %dma_start3A_199 = tpu.memref_squeeze %dma_start3A_198 : memref<1x128x32xf32, #tpu.memory_space<vmem>> -> memref<128x32xf32, #tpu.memory_space<vmem>>
    %dma_start3A_200 = arith.constant 0 : i32
    %dma_start3A_201 = tpu.memref_slice %arg5[%dma_start3A_194, %dma_start3A_200] : memref<200x128xi32, #tpu.memory_space<vmem>> -> memref<1x128xi32, #tpu.memory_space<vmem>>
    %dma_start3A_202 = tpu.memref_squeeze %dma_start3A_201 : memref<1x128xi32, #tpu.memory_space<vmem>> -> memref<128xi32, #tpu.memory_space<vmem>>
    %dma_start3A_203 = arith.constant 0 : i32
    %dma_start3A_204 = arith.constant 0 : i32
    %dma_start3A_205 = tpu.memref_slice %arg3[%dma_start3A_203, %dma_start3A_204] : memref<1000000x32xf32, #tpu.memory_space<hbm>> -> memref<1000000x32xf32, #tpu.memory_space<hbm>>
    tpu.enqueue_indirect_dma source(%dma_start3A_205 : memref<1000000x32xf32, #tpu.memory_space<hbm>>) target(%dma_start3A_199 : memref<128x32xf32, #tpu.memory_space<vmem>>) offsets(%dma_start3A_202 : memref<128xi32, #tpu.memory_space<vmem>>) semaphore(%arg9 : memref<!tpu.dma_semaphore, #tpu.memory_space<semaphore_mem>>)
    %dma_start3A_206 = arith.constant 17 : i32
    %dma_start3A_207 = arith.constant 7 : i32
    %dma_start3A_208 = arith.constant 0 : i32
    %dma_start3A_209 = arith.constant 0 : i32
    %dma_start3A_210 = tpu.memref_slice %arg7[%dma_start3A_207, %dma_start3A_208, %dma_start3A_209] : memref<10x128x32xf32, #tpu.memory_space<vmem>> -> memref<1x128x32xf32, #tpu.memory_space<vmem>>
    %dma_start3A_211 = tpu.memref_squeeze %dma_start3A_210 : memref<1x128x32xf32, #tpu.memory_space<vmem>> -> memref<128x32xf32, #tpu.memory_space<vmem>>
    %dma_start3A_212 = arith.constant 0 : i32
    %dma_start3A_213 = tpu.memref_slice %arg5[%dma_start3A_206, %dma_start3A_212] : memref<200x128xi32, #tpu.memory_space<vmem>> -> memref<1x128xi32, #tpu.memory_space<vmem>>
    %dma_start3A_214 = tpu.memref_squeeze %dma_start3A_213 : memref<1x128xi32, #tpu.memory_space<vmem>> -> memref<128xi32, #tpu.memory_space<vmem>>
    %dma_start3A_215 = arith.constant 0 : i32
    %dma_start3A_216 = arith.constant 0 : i32
    %dma_start3A_217 = tpu.memref_slice %arg3[%dma_start3A_215, %dma_start3A_216] : memref<1000000x32xf32, #tpu.memory_space<hbm>> -> memref<1000000x32xf32, #tpu.memory_space<hbm>>
    tpu.enqueue_indirect_dma source(%dma_start3A_217 : memref<1000000x32xf32, #tpu.memory_space<hbm>>) target(%dma_start3A_211 : memref<128x32xf32, #tpu.memory_space<vmem>>) offsets(%dma_start3A_214 : memref<128xi32, #tpu.memory_space<vmem>>) semaphore(%arg9 : memref<!tpu.dma_semaphore, #tpu.memory_space<semaphore_mem>>)
    %dma_start3A_218 = arith.constant 18 : i32
    %dma_start3A_219 = arith.constant 8 : i32
    %dma_start3A_220 = arith.constant 0 : i32
    %dma_start3A_221 = arith.constant 0 : i32
    %dma_start3A_222 = tpu.memref_slice %arg7[%dma_start3A_219, %dma_start3A_220, %dma_start3A_221] : memref<10x128x32xf32, #tpu.memory_space<vmem>> -> memref<1x128x32xf32, #tpu.memory_space<vmem>>
    %dma_start3A_223 = tpu.memref_squeeze %dma_start3A_222 : memref<1x128x32xf32, #tpu.memory_space<vmem>> -> memref<128x32xf32, #tpu.memory_space<vmem>>
    %dma_start3A_224 = arith.constant 0 : i32
    %dma_start3A_225 = tpu.memref_slice %arg5[%dma_start3A_218, %dma_start3A_224] : memref<200x128xi32, #tpu.memory_space<vmem>> -> memref<1x128xi32, #tpu.memory_space<vmem>>
    %dma_start3A_226 = tpu.memref_squeeze %dma_start3A_225 : memref<1x128xi32, #tpu.memory_space<vmem>> -> memref<128xi32, #tpu.memory_space<vmem>>
    %dma_start3A_227 = arith.constant 0 : i32
    %dma_start3A_228 = arith.constant 0 : i32
    %dma_start3A_229 = tpu.memref_slice %arg3[%dma_start3A_227, %dma_start3A_228] : memref<1000000x32xf32, #tpu.memory_space<hbm>> -> memref<1000000x32xf32, #tpu.memory_space<hbm>>
    tpu.enqueue_indirect_dma source(%dma_start3A_229 : memref<1000000x32xf32, #tpu.memory_space<hbm>>) target(%dma_start3A_223 : memref<128x32xf32, #tpu.memory_space<vmem>>) offsets(%dma_start3A_226 : memref<128xi32, #tpu.memory_space<vmem>>) semaphore(%arg9 : memref<!tpu.dma_semaphore, #tpu.memory_space<semaphore_mem>>)
    %dma_start3A_230 = arith.constant 19 : i32
    %dma_start3A_231 = arith.constant 9 : i32
    %dma_start3A_232 = arith.constant 0 : i32
    %dma_start3A_233 = arith.constant 0 : i32
    %dma_start3A_234 = tpu.memref_slice %arg7[%dma_start3A_231, %dma_start3A_232, %dma_start3A_233] : memref<10x128x32xf32, #tpu.memory_space<vmem>> -> memref<1x128x32xf32, #tpu.memory_space<vmem>>
    %dma_start3A_235 = tpu.memref_squeeze %dma_start3A_234 : memref<1x128x32xf32, #tpu.memory_space<vmem>> -> memref<128x32xf32, #tpu.memory_space<vmem>>
    %dma_start3A_236 = arith.constant 0 : i32
    %dma_start3A_237 = tpu.memref_slice %arg5[%dma_start3A_230, %dma_start3A_236] : memref<200x128xi32, #tpu.memory_space<vmem>> -> memref<1x128xi32, #tpu.memory_space<vmem>>
    %dma_start3A_238 = tpu.memref_squeeze %dma_start3A_237 : memref<1x128xi32, #tpu.memory_space<vmem>> -> memref<128xi32, #tpu.memory_space<vmem>>
    %dma_start3A_239 = arith.constant 0 : i32
    %dma_start3A_240 = arith.constant 0 : i32
    %dma_start3A_241 = tpu.memref_slice %arg3[%dma_start3A_239, %dma_start3A_240] : memref<1000000x32xf32, #tpu.memory_space<hbm>> -> memref<1000000x32xf32, #tpu.memory_space<hbm>>
    tpu.enqueue_indirect_dma source(%dma_start3A_241 : memref<1000000x32xf32, #tpu.memory_space<hbm>>) target(%dma_start3A_235 : memref<128x32xf32, #tpu.memory_space<vmem>>) offsets(%dma_start3A_238 : memref<128xi32, #tpu.memory_space<vmem>>) semaphore(%arg9 : memref<!tpu.dma_semaphore, #tpu.memory_space<semaphore_mem>>)
    %scan3A = arith.constant 0 : i32
    %scan3A_242 = arith.constant 9 : i32
    %scan3A_243 = arith.addi %scan3A, %scan3A_242 : i32
    %scan3A_244 = arith.constant 1 : i32
    scf.for %scan3A_285 = %scan3A to %scan3A_243 step %scan3A_244  : i32 {
      %mul3A_286 = arith.constant 2 : i32
      %mul3A_287 = arith.muli %scan3A_285, %mul3A_286 : i32
      %add3A_288 = arith.constant 0 : i32
      %add3A_289 = arith.addi %add3A_288, %mul3A_287 : i32
      %add3A_290 = arith.constant 0 : i32
      %add3A_291 = arith.addi %add3A_289, %add3A_290 : i32
      %dma_wait3A_292 = arith.constant 0 : i32
      %dma_wait3A_293 = arith.constant 0 : i32
      %dma_wait3A_294 = arith.constant 0 : i32
      %dma_wait3A_295 = tpu.memref_slice %arg4[%dma_wait3A_292, %dma_wait3A_293, %dma_wait3A_294] : memref<200x4096x32xf32, #tpu.memory_space<hbm>> -> memref<10x128x32xf32, #tpu.memory_space<hbm>>
      %dma_wait3A_296 = arith.constant 0 : i32
      %dma_wait3A_297 = arith.constant 0 : i32
      %dma_wait3A_298 = arith.constant 0 : i32
      %dma_wait3A_299 = tpu.memref_slice %arg4[%dma_wait3A_296, %dma_wait3A_297, %dma_wait3A_298] : memref<200x4096x32xf32, #tpu.memory_space<hbm>> -> memref<10x128x32xf32, #tpu.memory_space<hbm>>
      tpu.wait_dma2 semaphore(%arg8 : memref<!tpu.dma_semaphore, #tpu.memory_space<semaphore_mem>>) src(%dma_wait3A_299 : memref<10x128x32xf32, #tpu.memory_space<hbm>>) dst(%arg6 : memref<10x128x32xf32, #tpu.memory_space<vmem>>)
      %mul3A_300 = arith.constant 10 : i32
      %mul3A_301 = arith.muli %add3A_291, %mul3A_300 : i32
      %dma_start3A_302 = arith.constant 0 : i32
      %dma_start3A_303 = tpu.memref_slice %arg4[%mul3A_301, %mul3A_2, %dma_start3A_302] : memref<200x4096x32xf32, #tpu.memory_space<hbm>> -> memref<10x128x32xf32, #tpu.memory_space<hbm>>
      %dma_start3A_304 = arith.constant 0 : i32
      %dma_start3A_305 = tpu.memref_slice %arg4[%mul3A_301, %mul3A_2, %dma_start3A_304] : memref<200x4096x32xf32, #tpu.memory_space<hbm>> -> memref<10x128x32xf32, #tpu.memory_space<hbm>>
      tpu.enqueue_dma source(%arg6 : memref<10x128x32xf32, #tpu.memory_space<vmem>>) target(%dma_start3A_305 : memref<10x128x32xf32, #tpu.memory_space<hbm>>) target_semaphore(%arg10 : memref<!tpu.dma_semaphore, #tpu.memory_space<semaphore_mem>>)
      %dma_wait3A_306 = arith.constant 0 : i32
      %dma_wait3A_307 = tpu.memref_slice %arg4[%mul3A_301, %mul3A_2, %dma_wait3A_306] : memref<200x4096x32xf32, #tpu.memory_space<hbm>> -> memref<10x128x32xf32, #tpu.memory_space<hbm>>
      %dma_wait3A_308 = arith.constant 0 : i32
      %dma_wait3A_309 = tpu.memref_slice %arg4[%mul3A_301, %mul3A_2, %dma_wait3A_308] : memref<200x4096x32xf32, #tpu.memory_space<hbm>> -> memref<10x128x32xf32, #tpu.memory_space<hbm>>
      tpu.wait_dma2 semaphore(%arg10 : memref<!tpu.dma_semaphore, #tpu.memory_space<semaphore_mem>>) src(%arg6 : memref<10x128x32xf32, #tpu.memory_space<vmem>>) dst(%dma_wait3A_309 : memref<10x128x32xf32, #tpu.memory_space<hbm>>)
      %add3A_310 = arith.constant 2 : i32
      %add3A_311 = arith.addi %add3A_291, %add3A_310 : i32
      %mul3A_312 = arith.constant 10 : i32
      %mul3A_313 = arith.muli %add3A_311, %mul3A_312 : i32
      %add3A_314 = arith.constant 0 : i32
      %add3A_315 = arith.addi %mul3A_313, %add3A_314 : i32
      %dma_start3A_316 = arith.constant 0 : i32
      %dma_start3A_317 = arith.constant 0 : i32
      %dma_start3A_318 = arith.constant 0 : i32
      %dma_start3A_319 = tpu.memref_slice %arg6[%dma_start3A_316, %dma_start3A_317, %dma_start3A_318] : memref<10x128x32xf32, #tpu.memory_space<vmem>> -> memref<1x128x32xf32, #tpu.memory_space<vmem>>
      %dma_start3A_320 = tpu.memref_squeeze %dma_start3A_319 : memref<1x128x32xf32, #tpu.memory_space<vmem>> -> memref<128x32xf32, #tpu.memory_space<vmem>>
      %dma_start3A_321 = arith.constant 0 : i32
      %dma_start3A_322 = tpu.memref_slice %arg5[%add3A_315, %dma_start3A_321] : memref<200x128xi32, #tpu.memory_space<vmem>> -> memref<1x128xi32, #tpu.memory_space<vmem>>
      %dma_start3A_323 = tpu.memref_squeeze %dma_start3A_322 : memref<1x128xi32, #tpu.memory_space<vmem>> -> memref<128xi32, #tpu.memory_space<vmem>>
      %dma_start3A_324 = arith.constant 0 : i32
      %dma_start3A_325 = arith.constant 0 : i32
      %dma_start3A_326 = tpu.memref_slice %arg3[%dma_start3A_324, %dma_start3A_325] : memref<1000000x32xf32, #tpu.memory_space<hbm>> -> memref<1000000x32xf32, #tpu.memory_space<hbm>>
      tpu.enqueue_indirect_dma source(%dma_start3A_326 : memref<1000000x32xf32, #tpu.memory_space<hbm>>) target(%dma_start3A_320 : memref<128x32xf32, #tpu.memory_space<vmem>>) offsets(%dma_start3A_323 : memref<128xi32, #tpu.memory_space<vmem>>) semaphore(%arg8 : memref<!tpu.dma_semaphore, #tpu.memory_space<semaphore_mem>>)
      %mul3A_327 = arith.constant 10 : i32
      %mul3A_328 = arith.muli %add3A_311, %mul3A_327 : i32
      %add3A_329 = arith.constant 1 : i32
      %add3A_330 = arith.addi %mul3A_328, %add3A_329 : i32
      %dma_start3A_331 = arith.constant 1 : i32
      %dma_start3A_332 = arith.constant 0 : i32
      %dma_start3A_333 = arith.constant 0 : i32
      %dma_start3A_334 = tpu.memref_slice %arg6[%dma_start3A_331, %dma_start3A_332, %dma_start3A_333] : memref<10x128x32xf32, #tpu.memory_space<vmem>> -> memref<1x128x32xf32, #tpu.memory_space<vmem>>
      %dma_start3A_335 = tpu.memref_squeeze %dma_start3A_334 : memref<1x128x32xf32, #tpu.memory_space<vmem>> -> memref<128x32xf32, #tpu.memory_space<vmem>>
      %dma_start3A_336 = arith.constant 0 : i32
      %dma_start3A_337 = tpu.memref_slice %arg5[%add3A_330, %dma_start3A_336] : memref<200x128xi32, #tpu.memory_space<vmem>> -> memref<1x128xi32, #tpu.memory_space<vmem>>
      %dma_start3A_338 = tpu.memref_squeeze %dma_start3A_337 : memref<1x128xi32, #tpu.memory_space<vmem>> -> memref<128xi32, #tpu.memory_space<vmem>>
      %dma_start3A_339 = arith.constant 0 : i32
      %dma_start3A_340 = arith.constant 0 : i32
      %dma_start3A_341 = tpu.memref_slice %arg3[%dma_start3A_339, %dma_start3A_340] : memref<1000000x32xf32, #tpu.memory_space<hbm>> -> memref<1000000x32xf32, #tpu.memory_space<hbm>>
      tpu.enqueue_indirect_dma source(%dma_start3A_341 : memref<1000000x32xf32, #tpu.memory_space<hbm>>) target(%dma_start3A_335 : memref<128x32xf32, #tpu.memory_space<vmem>>) offsets(%dma_start3A_338 : memref<128xi32, #tpu.memory_space<vmem>>) semaphore(%arg8 : memref<!tpu.dma_semaphore, #tpu.memory_space<semaphore_mem>>)
      %mul3A_342 = arith.constant 10 : i32
      %mul3A_343 = arith.muli %add3A_311, %mul3A_342 : i32
      %add3A_344 = arith.constant 2 : i32
      %add3A_345 = arith.addi %mul3A_343, %add3A_344 : i32
      %dma_start3A_346 = arith.constant 2 : i32
      %dma_start3A_347 = arith.constant 0 : i32
      %dma_start3A_348 = arith.constant 0 : i32
      %dma_start3A_349 = tpu.memref_slice %arg6[%dma_start3A_346, %dma_start3A_347, %dma_start3A_348] : memref<10x128x32xf32, #tpu.memory_space<vmem>> -> memref<1x128x32xf32, #tpu.memory_space<vmem>>
      %dma_start3A_350 = tpu.memref_squeeze %dma_start3A_349 : memref<1x128x32xf32, #tpu.memory_space<vmem>> -> memref<128x32xf32, #tpu.memory_space<vmem>>
      %dma_start3A_351 = arith.constant 0 : i32
      %dma_start3A_352 = tpu.memref_slice %arg5[%add3A_345, %dma_start3A_351] : memref<200x128xi32, #tpu.memory_space<vmem>> -> memref<1x128xi32, #tpu.memory_space<vmem>>
      %dma_start3A_353 = tpu.memref_squeeze %dma_start3A_352 : memref<1x128xi32, #tpu.memory_space<vmem>> -> memref<128xi32, #tpu.memory_space<vmem>>
      %dma_start3A_354 = arith.constant 0 : i32
      %dma_start3A_355 = arith.constant 0 : i32
      %dma_start3A_356 = tpu.memref_slice %arg3[%dma_start3A_354, %dma_start3A_355] : memref<1000000x32xf32, #tpu.memory_space<hbm>> -> memref<1000000x32xf32, #tpu.memory_space<hbm>>
      tpu.enqueue_indirect_dma source(%dma_start3A_356 : memref<1000000x32xf32, #tpu.memory_space<hbm>>) target(%dma_start3A_350 : memref<128x32xf32, #tpu.memory_space<vmem>>) offsets(%dma_start3A_353 : memref<128xi32, #tpu.memory_space<vmem>>) semaphore(%arg8 : memref<!tpu.dma_semaphore, #tpu.memory_space<semaphore_mem>>)
      %mul3A_357 = arith.constant 10 : i32
      %mul3A_358 = arith.muli %add3A_311, %mul3A_357 : i32
      %add3A_359 = arith.constant 3 : i32
      %add3A_360 = arith.addi %mul3A_358, %add3A_359 : i32
      %dma_start3A_361 = arith.constant 3 : i32
      %dma_start3A_362 = arith.constant 0 : i32
      %dma_start3A_363 = arith.constant 0 : i32
      %dma_start3A_364 = tpu.memref_slice %arg6[%dma_start3A_361, %dma_start3A_362, %dma_start3A_363] : memref<10x128x32xf32, #tpu.memory_space<vmem>> -> memref<1x128x32xf32, #tpu.memory_space<vmem>>
      %dma_start3A_365 = tpu.memref_squeeze %dma_start3A_364 : memref<1x128x32xf32, #tpu.memory_space<vmem>> -> memref<128x32xf32, #tpu.memory_space<vmem>>
      %dma_start3A_366 = arith.constant 0 : i32
      %dma_start3A_367 = tpu.memref_slice %arg5[%add3A_360, %dma_start3A_366] : memref<200x128xi32, #tpu.memory_space<vmem>> -> memref<1x128xi32, #tpu.memory_space<vmem>>
      %dma_start3A_368 = tpu.memref_squeeze %dma_start3A_367 : memref<1x128xi32, #tpu.memory_space<vmem>> -> memref<128xi32, #tpu.memory_space<vmem>>
      %dma_start3A_369 = arith.constant 0 : i32
      %dma_start3A_370 = arith.constant 0 : i32
      %dma_start3A_371 = tpu.memref_slice %arg3[%dma_start3A_369, %dma_start3A_370] : memref<1000000x32xf32, #tpu.memory_space<hbm>> -> memref<1000000x32xf32, #tpu.memory_space<hbm>>
      tpu.enqueue_indirect_dma source(%dma_start3A_371 : memref<1000000x32xf32, #tpu.memory_space<hbm>>) target(%dma_start3A_365 : memref<128x32xf32, #tpu.memory_space<vmem>>) offsets(%dma_start3A_368 : memref<128xi32, #tpu.memory_space<vmem>>) semaphore(%arg8 : memref<!tpu.dma_semaphore, #tpu.memory_space<semaphore_mem>>)
      %mul3A_372 = arith.constant 10 : i32
      %mul3A_373 = arith.muli %add3A_311, %mul3A_372 : i32
      %add3A_374 = arith.constant 4 : i32
      %add3A_375 = arith.addi %mul3A_373, %add3A_374 : i32
      %dma_start3A_376 = arith.constant 4 : i32
      %dma_start3A_377 = arith.constant 0 : i32
      %dma_start3A_378 = arith.constant 0 : i32
      %dma_start3A_379 = tpu.memref_slice %arg6[%dma_start3A_376, %dma_start3A_377, %dma_start3A_378] : memref<10x128x32xf32, #tpu.memory_space<vmem>> -> memref<1x128x32xf32, #tpu.memory_space<vmem>>
      %dma_start3A_380 = tpu.memref_squeeze %dma_start3A_379 : memref<1x128x32xf32, #tpu.memory_space<vmem>> -> memref<128x32xf32, #tpu.memory_space<vmem>>
      %dma_start3A_381 = arith.constant 0 : i32
      %dma_start3A_382 = tpu.memref_slice %arg5[%add3A_375, %dma_start3A_381] : memref<200x128xi32, #tpu.memory_space<vmem>> -> memref<1x128xi32, #tpu.memory_space<vmem>>
      %dma_start3A_383 = tpu.memref_squeeze %dma_start3A_382 : memref<1x128xi32, #tpu.memory_space<vmem>> -> memref<128xi32, #tpu.memory_space<vmem>>
      %dma_start3A_384 = arith.constant 0 : i32
      %dma_start3A_385 = arith.constant 0 : i32
      %dma_start3A_386 = tpu.memref_slice %arg3[%dma_start3A_384, %dma_start3A_385] : memref<1000000x32xf32, #tpu.memory_space<hbm>> -> memref<1000000x32xf32, #tpu.memory_space<hbm>>
      tpu.enqueue_indirect_dma source(%dma_start3A_386 : memref<1000000x32xf32, #tpu.memory_space<hbm>>) target(%dma_start3A_380 : memref<128x32xf32, #tpu.memory_space<vmem>>) offsets(%dma_start3A_383 : memref<128xi32, #tpu.memory_space<vmem>>) semaphore(%arg8 : memref<!tpu.dma_semaphore, #tpu.memory_space<semaphore_mem>>)
      %mul3A_387 = arith.constant 10 : i32
      %mul3A_388 = arith.muli %add3A_311, %mul3A_387 : i32
      %add3A_389 = arith.constant 5 : i32
      %add3A_390 = arith.addi %mul3A_388, %add3A_389 : i32
      %dma_start3A_391 = arith.constant 5 : i32
      %dma_start3A_392 = arith.constant 0 : i32
      %dma_start3A_393 = arith.constant 0 : i32
      %dma_start3A_394 = tpu.memref_slice %arg6[%dma_start3A_391, %dma_start3A_392, %dma_start3A_393] : memref<10x128x32xf32, #tpu.memory_space<vmem>> -> memref<1x128x32xf32, #tpu.memory_space<vmem>>
      %dma_start3A_395 = tpu.memref_squeeze %dma_start3A_394 : memref<1x128x32xf32, #tpu.memory_space<vmem>> -> memref<128x32xf32, #tpu.memory_space<vmem>>
      %dma_start3A_396 = arith.constant 0 : i32
      %dma_start3A_397 = tpu.memref_slice %arg5[%add3A_390, %dma_start3A_396] : memref<200x128xi32, #tpu.memory_space<vmem>> -> memref<1x128xi32, #tpu.memory_space<vmem>>
      %dma_start3A_398 = tpu.memref_squeeze %dma_start3A_397 : memref<1x128xi32, #tpu.memory_space<vmem>> -> memref<128xi32, #tpu.memory_space<vmem>>
      %dma_start3A_399 = arith.constant 0 : i32
      %dma_start3A_400 = arith.constant 0 : i32
      %dma_start3A_401 = tpu.memref_slice %arg3[%dma_start3A_399, %dma_start3A_400] : memref<1000000x32xf32, #tpu.memory_space<hbm>> -> memref<1000000x32xf32, #tpu.memory_space<hbm>>
      tpu.enqueue_indirect_dma source(%dma_start3A_401 : memref<1000000x32xf32, #tpu.memory_space<hbm>>) target(%dma_start3A_395 : memref<128x32xf32, #tpu.memory_space<vmem>>) offsets(%dma_start3A_398 : memref<128xi32, #tpu.memory_space<vmem>>) semaphore(%arg8 : memref<!tpu.dma_semaphore, #tpu.memory_space<semaphore_mem>>)
      %mul3A_402 = arith.constant 10 : i32
      %mul3A_403 = arith.muli %add3A_311, %mul3A_402 : i32
      %add3A_404 = arith.constant 6 : i32
      %add3A_405 = arith.addi %mul3A_403, %add3A_404 : i32
      %dma_start3A_406 = arith.constant 6 : i32
      %dma_start3A_407 = arith.constant 0 : i32
      %dma_start3A_408 = arith.constant 0 : i32
      %dma_start3A_409 = tpu.memref_slice %arg6[%dma_start3A_406, %dma_start3A_407, %dma_start3A_408] : memref<10x128x32xf32, #tpu.memory_space<vmem>> -> memref<1x128x32xf32, #tpu.memory_space<vmem>>
      %dma_start3A_410 = tpu.memref_squeeze %dma_start3A_409 : memref<1x128x32xf32, #tpu.memory_space<vmem>> -> memref<128x32xf32, #tpu.memory_space<vmem>>
      %dma_start3A_411 = arith.constant 0 : i32
      %dma_start3A_412 = tpu.memref_slice %arg5[%add3A_405, %dma_start3A_411] : memref<200x128xi32, #tpu.memory_space<vmem>> -> memref<1x128xi32, #tpu.memory_space<vmem>>
      %dma_start3A_413 = tpu.memref_squeeze %dma_start3A_412 : memref<1x128xi32, #tpu.memory_space<vmem>> -> memref<128xi32, #tpu.memory_space<vmem>>
      %dma_start3A_414 = arith.constant 0 : i32
      %dma_start3A_415 = arith.constant 0 : i32
      %dma_start3A_416 = tpu.memref_slice %arg3[%dma_start3A_414, %dma_start3A_415] : memref<1000000x32xf32, #tpu.memory_space<hbm>> -> memref<1000000x32xf32, #tpu.memory_space<hbm>>
      tpu.enqueue_indirect_dma source(%dma_start3A_416 : memref<1000000x32xf32, #tpu.memory_space<hbm>>) target(%dma_start3A_410 : memref<128x32xf32, #tpu.memory_space<vmem>>) offsets(%dma_start3A_413 : memref<128xi32, #tpu.memory_space<vmem>>) semaphore(%arg8 : memref<!tpu.dma_semaphore, #tpu.memory_space<semaphore_mem>>)
      %mul3A_417 = arith.constant 10 : i32
      %mul3A_418 = arith.muli %add3A_311, %mul3A_417 : i32
      %add3A_419 = arith.constant 7 : i32
      %add3A_420 = arith.addi %mul3A_418, %add3A_419 : i32
      %dma_start3A_421 = arith.constant 7 : i32
      %dma_start3A_422 = arith.constant 0 : i32
      %dma_start3A_423 = arith.constant 0 : i32
      %dma_start3A_424 = tpu.memref_slice %arg6[%dma_start3A_421, %dma_start3A_422, %dma_start3A_423] : memref<10x128x32xf32, #tpu.memory_space<vmem>> -> memref<1x128x32xf32, #tpu.memory_space<vmem>>
      %dma_start3A_425 = tpu.memref_squeeze %dma_start3A_424 : memref<1x128x32xf32, #tpu.memory_space<vmem>> -> memref<128x32xf32, #tpu.memory_space<vmem>>
      %dma_start3A_426 = arith.constant 0 : i32
      %dma_start3A_427 = tpu.memref_slice %arg5[%add3A_420, %dma_start3A_426] : memref<200x128xi32, #tpu.memory_space<vmem>> -> memref<1x128xi32, #tpu.memory_space<vmem>>
      %dma_start3A_428 = tpu.memref_squeeze %dma_start3A_427 : memref<1x128xi32, #tpu.memory_space<vmem>> -> memref<128xi32, #tpu.memory_space<vmem>>
      %dma_start3A_429 = arith.constant 0 : i32
      %dma_start3A_430 = arith.constant 0 : i32
      %dma_start3A_431 = tpu.memref_slice %arg3[%dma_start3A_429, %dma_start3A_430] : memref<1000000x32xf32, #tpu.memory_space<hbm>> -> memref<1000000x32xf32, #tpu.memory_space<hbm>>
      tpu.enqueue_indirect_dma source(%dma_start3A_431 : memref<1000000x32xf32, #tpu.memory_space<hbm>>) target(%dma_start3A_425 : memref<128x32xf32, #tpu.memory_space<vmem>>) offsets(%dma_start3A_428 : memref<128xi32, #tpu.memory_space<vmem>>) semaphore(%arg8 : memref<!tpu.dma_semaphore, #tpu.memory_space<semaphore_mem>>)
      %mul3A_432 = arith.constant 10 : i32
      %mul3A_433 = arith.muli %add3A_311, %mul3A_432 : i32
      %add3A_434 = arith.constant 8 : i32
      %add3A_435 = arith.addi %mul3A_433, %add3A_434 : i32
      %dma_start3A_436 = arith.constant 8 : i32
      %dma_start3A_437 = arith.constant 0 : i32
      %dma_start3A_438 = arith.constant 0 : i32
      %dma_start3A_439 = tpu.memref_slice %arg6[%dma_start3A_436, %dma_start3A_437, %dma_start3A_438] : memref<10x128x32xf32, #tpu.memory_space<vmem>> -> memref<1x128x32xf32, #tpu.memory_space<vmem>>
      %dma_start3A_440 = tpu.memref_squeeze %dma_start3A_439 : memref<1x128x32xf32, #tpu.memory_space<vmem>> -> memref<128x32xf32, #tpu.memory_space<vmem>>
      %dma_start3A_441 = arith.constant 0 : i32
      %dma_start3A_442 = tpu.memref_slice %arg5[%add3A_435, %dma_start3A_441] : memref<200x128xi32, #tpu.memory_space<vmem>> -> memref<1x128xi32, #tpu.memory_space<vmem>>
      %dma_start3A_443 = tpu.memref_squeeze %dma_start3A_442 : memref<1x128xi32, #tpu.memory_space<vmem>> -> memref<128xi32, #tpu.memory_space<vmem>>
      %dma_start3A_444 = arith.constant 0 : i32
      %dma_start3A_445 = arith.constant 0 : i32
      %dma_start3A_446 = tpu.memref_slice %arg3[%dma_start3A_444, %dma_start3A_445] : memref<1000000x32xf32, #tpu.memory_space<hbm>> -> memref<1000000x32xf32, #tpu.memory_space<hbm>>
      tpu.enqueue_indirect_dma source(%dma_start3A_446 : memref<1000000x32xf32, #tpu.memory_space<hbm>>) target(%dma_start3A_440 : memref<128x32xf32, #tpu.memory_space<vmem>>) offsets(%dma_start3A_443 : memref<128xi32, #tpu.memory_space<vmem>>) semaphore(%arg8 : memref<!tpu.dma_semaphore, #tpu.memory_space<semaphore_mem>>)
      %mul3A_447 = arith.constant 10 : i32
      %mul3A_448 = arith.muli %add3A_311, %mul3A_447 : i32
      %add3A_449 = arith.constant 9 : i32
      %add3A_450 = arith.addi %mul3A_448, %add3A_449 : i32
      %dma_start3A_451 = arith.constant 9 : i32
      %dma_start3A_452 = arith.constant 0 : i32
      %dma_start3A_453 = arith.constant 0 : i32
      %dma_start3A_454 = tpu.memref_slice %arg6[%dma_start3A_451, %dma_start3A_452, %dma_start3A_453] : memref<10x128x32xf32, #tpu.memory_space<vmem>> -> memref<1x128x32xf32, #tpu.memory_space<vmem>>
      %dma_start3A_455 = tpu.memref_squeeze %dma_start3A_454 : memref<1x128x32xf32, #tpu.memory_space<vmem>> -> memref<128x32xf32, #tpu.memory_space<vmem>>
      %dma_start3A_456 = arith.constant 0 : i32
      %dma_start3A_457 = tpu.memref_slice %arg5[%add3A_450, %dma_start3A_456] : memref<200x128xi32, #tpu.memory_space<vmem>> -> memref<1x128xi32, #tpu.memory_space<vmem>>
      %dma_start3A_458 = tpu.memref_squeeze %dma_start3A_457 : memref<1x128xi32, #tpu.memory_space<vmem>> -> memref<128xi32, #tpu.memory_space<vmem>>
      %dma_start3A_459 = arith.constant 0 : i32
      %dma_start3A_460 = arith.constant 0 : i32
      %dma_start3A_461 = tpu.memref_slice %arg3[%dma_start3A_459, %dma_start3A_460] : memref<1000000x32xf32, #tpu.memory_space<hbm>> -> memref<1000000x32xf32, #tpu.memory_space<hbm>>
      tpu.enqueue_indirect_dma source(%dma_start3A_461 : memref<1000000x32xf32, #tpu.memory_space<hbm>>) target(%dma_start3A_455 : memref<128x32xf32, #tpu.memory_space<vmem>>) offsets(%dma_start3A_458 : memref<128xi32, #tpu.memory_space<vmem>>) semaphore(%arg8 : memref<!tpu.dma_semaphore, #tpu.memory_space<semaphore_mem>>)
      %add3A_462 = arith.constant 1 : i32
      %add3A_463 = arith.addi %add3A_289, %add3A_462 : i32
      %dma_wait3A_464 = arith.constant 0 : i32
      %dma_wait3A_465 = arith.constant 0 : i32
      %dma_wait3A_466 = arith.constant 0 : i32
      %dma_wait3A_467 = tpu.memref_slice %arg4[%dma_wait3A_464, %dma_wait3A_465, %dma_wait3A_466] : memref<200x4096x32xf32, #tpu.memory_space<hbm>> -> memref<10x128x32xf32, #tpu.memory_space<hbm>>
      %dma_wait3A_468 = arith.constant 0 : i32
      %dma_wait3A_469 = arith.constant 0 : i32
      %dma_wait3A_470 = arith.constant 0 : i32
      %dma_wait3A_471 = tpu.memref_slice %arg4[%dma_wait3A_468, %dma_wait3A_469, %dma_wait3A_470] : memref<200x4096x32xf32, #tpu.memory_space<hbm>> -> memref<10x128x32xf32, #tpu.memory_space<hbm>>
      tpu.wait_dma2 semaphore(%arg9 : memref<!tpu.dma_semaphore, #tpu.memory_space<semaphore_mem>>) src(%dma_wait3A_471 : memref<10x128x32xf32, #tpu.memory_space<hbm>>) dst(%arg7 : memref<10x128x32xf32, #tpu.memory_space<vmem>>)
      %mul3A_472 = arith.constant 10 : i32
      %mul3A_473 = arith.muli %add3A_463, %mul3A_472 : i32
      %dma_start3A_474 = arith.constant 0 : i32
      %dma_start3A_475 = tpu.memref_slice %arg4[%mul3A_473, %mul3A_2, %dma_start3A_474] : memref<200x4096x32xf32, #tpu.memory_space<hbm>> -> memref<10x128x32xf32, #tpu.memory_space<hbm>>
      %dma_start3A_476 = arith.constant 0 : i32
      %dma_start3A_477 = tpu.memref_slice %arg4[%mul3A_473, %mul3A_2, %dma_start3A_476] : memref<200x4096x32xf32, #tpu.memory_space<hbm>> -> memref<10x128x32xf32, #tpu.memory_space<hbm>>
      tpu.enqueue_dma source(%arg7 : memref<10x128x32xf32, #tpu.memory_space<vmem>>) target(%dma_start3A_477 : memref<10x128x32xf32, #tpu.memory_space<hbm>>) target_semaphore(%arg11 : memref<!tpu.dma_semaphore, #tpu.memory_space<semaphore_mem>>)
      %dma_wait3A_478 = arith.constant 0 : i32
      %dma_wait3A_479 = tpu.memref_slice %arg4[%mul3A_473, %mul3A_2, %dma_wait3A_478] : memref<200x4096x32xf32, #tpu.memory_space<hbm>> -> memref<10x128x32xf32, #tpu.memory_space<hbm>>
      %dma_wait3A_480 = arith.constant 0 : i32
      %dma_wait3A_481 = tpu.memref_slice %arg4[%mul3A_473, %mul3A_2, %dma_wait3A_480] : memref<200x4096x32xf32, #tpu.memory_space<hbm>> -> memref<10x128x32xf32, #tpu.memory_space<hbm>>
      tpu.wait_dma2 semaphore(%arg11 : memref<!tpu.dma_semaphore, #tpu.memory_space<semaphore_mem>>) src(%arg7 : memref<10x128x32xf32, #tpu.memory_space<vmem>>) dst(%dma_wait3A_481 : memref<10x128x32xf32, #tpu.memory_space<hbm>>)
      %add3A_482 = arith.constant 2 : i32
      %add3A_483 = arith.addi %add3A_463, %add3A_482 : i32
      %mul3A_484 = arith.constant 10 : i32
      %mul3A_485 = arith.muli %add3A_483, %mul3A_484 : i32
      %add3A_486 = arith.constant 0 : i32
      %add3A_487 = arith.addi %mul3A_485, %add3A_486 : i32
      %dma_start3A_488 = arith.constant 0 : i32
      %dma_start3A_489 = arith.constant 0 : i32
      %dma_start3A_490 = arith.constant 0 : i32
      %dma_start3A_491 = tpu.memref_slice %arg7[%dma_start3A_488, %dma_start3A_489, %dma_start3A_490] : memref<10x128x32xf32, #tpu.memory_space<vmem>> -> memref<1x128x32xf32, #tpu.memory_space<vmem>>
      %dma_start3A_492 = tpu.memref_squeeze %dma_start3A_491 : memref<1x128x32xf32, #tpu.memory_space<vmem>> -> memref<128x32xf32, #tpu.memory_space<vmem>>
      %dma_start3A_493 = arith.constant 0 : i32
      %dma_start3A_494 = tpu.memref_slice %arg5[%add3A_487, %dma_start3A_493] : memref<200x128xi32, #tpu.memory_space<vmem>> -> memref<1x128xi32, #tpu.memory_space<vmem>>
      %dma_start3A_495 = tpu.memref_squeeze %dma_start3A_494 : memref<1x128xi32, #tpu.memory_space<vmem>> -> memref<128xi32, #tpu.memory_space<vmem>>
      %dma_start3A_496 = arith.constant 0 : i32
      %dma_start3A_497 = arith.constant 0 : i32
      %dma_start3A_498 = tpu.memref_slice %arg3[%dma_start3A_496, %dma_start3A_497] : memref<1000000x32xf32, #tpu.memory_space<hbm>> -> memref<1000000x32xf32, #tpu.memory_space<hbm>>
      tpu.enqueue_indirect_dma source(%dma_start3A_498 : memref<1000000x32xf32, #tpu.memory_space<hbm>>) target(%dma_start3A_492 : memref<128x32xf32, #tpu.memory_space<vmem>>) offsets(%dma_start3A_495 : memref<128xi32, #tpu.memory_space<vmem>>) semaphore(%arg9 : memref<!tpu.dma_semaphore, #tpu.memory_space<semaphore_mem>>)
      %mul3A_499 = arith.constant 10 : i32
      %mul3A_500 = arith.muli %add3A_483, %mul3A_499 : i32
      %add3A_501 = arith.constant 1 : i32
      %add3A_502 = arith.addi %mul3A_500, %add3A_501 : i32
      %dma_start3A_503 = arith.constant 1 : i32
      %dma_start3A_504 = arith.constant 0 : i32
      %dma_start3A_505 = arith.constant 0 : i32
      %dma_start3A_506 = tpu.memref_slice %arg7[%dma_start3A_503, %dma_start3A_504, %dma_start3A_505] : memref<10x128x32xf32, #tpu.memory_space<vmem>> -> memref<1x128x32xf32, #tpu.memory_space<vmem>>
      %dma_start3A_507 = tpu.memref_squeeze %dma_start3A_506 : memref<1x128x32xf32, #tpu.memory_space<vmem>> -> memref<128x32xf32, #tpu.memory_space<vmem>>
      %dma_start3A_508 = arith.constant 0 : i32
      %dma_start3A_509 = tpu.memref_slice %arg5[%add3A_502, %dma_start3A_508] : memref<200x128xi32, #tpu.memory_space<vmem>> -> memref<1x128xi32, #tpu.memory_space<vmem>>
      %dma_start3A_510 = tpu.memref_squeeze %dma_start3A_509 : memref<1x128xi32, #tpu.memory_space<vmem>> -> memref<128xi32, #tpu.memory_space<vmem>>
      %dma_start3A_511 = arith.constant 0 : i32
      %dma_start3A_512 = arith.constant 0 : i32
      %dma_start3A_513 = tpu.memref_slice %arg3[%dma_start3A_511, %dma_start3A_512] : memref<1000000x32xf32, #tpu.memory_space<hbm>> -> memref<1000000x32xf32, #tpu.memory_space<hbm>>
      tpu.enqueue_indirect_dma source(%dma_start3A_513 : memref<1000000x32xf32, #tpu.memory_space<hbm>>) target(%dma_start3A_507 : memref<128x32xf32, #tpu.memory_space<vmem>>) offsets(%dma_start3A_510 : memref<128xi32, #tpu.memory_space<vmem>>) semaphore(%arg9 : memref<!tpu.dma_semaphore, #tpu.memory_space<semaphore_mem>>)
      %mul3A_514 = arith.constant 10 : i32
      %mul3A_515 = arith.muli %add3A_483, %mul3A_514 : i32
      %add3A_516 = arith.constant 2 : i32
      %add3A_517 = arith.addi %mul3A_515, %add3A_516 : i32
      %dma_start3A_518 = arith.constant 2 : i32
      %dma_start3A_519 = arith.constant 0 : i32
      %dma_start3A_520 = arith.constant 0 : i32
      %dma_start3A_521 = tpu.memref_slice %arg7[%dma_start3A_518, %dma_start3A_519, %dma_start3A_520] : memref<10x128x32xf32, #tpu.memory_space<vmem>> -> memref<1x128x32xf32, #tpu.memory_space<vmem>>
      %dma_start3A_522 = tpu.memref_squeeze %dma_start3A_521 : memref<1x128x32xf32, #tpu.memory_space<vmem>> -> memref<128x32xf32, #tpu.memory_space<vmem>>
      %dma_start3A_523 = arith.constant 0 : i32
      %dma_start3A_524 = tpu.memref_slice %arg5[%add3A_517, %dma_start3A_523] : memref<200x128xi32, #tpu.memory_space<vmem>> -> memref<1x128xi32, #tpu.memory_space<vmem>>
      %dma_start3A_525 = tpu.memref_squeeze %dma_start3A_524 : memref<1x128xi32, #tpu.memory_space<vmem>> -> memref<128xi32, #tpu.memory_space<vmem>>
      %dma_start3A_526 = arith.constant 0 : i32
      %dma_start3A_527 = arith.constant 0 : i32
      %dma_start3A_528 = tpu.memref_slice %arg3[%dma_start3A_526, %dma_start3A_527] : memref<1000000x32xf32, #tpu.memory_space<hbm>> -> memref<1000000x32xf32, #tpu.memory_space<hbm>>
      tpu.enqueue_indirect_dma source(%dma_start3A_528 : memref<1000000x32xf32, #tpu.memory_space<hbm>>) target(%dma_start3A_522 : memref<128x32xf32, #tpu.memory_space<vmem>>) offsets(%dma_start3A_525 : memref<128xi32, #tpu.memory_space<vmem>>) semaphore(%arg9 : memref<!tpu.dma_semaphore, #tpu.memory_space<semaphore_mem>>)
      %mul3A_529 = arith.constant 10 : i32
      %mul3A_530 = arith.muli %add3A_483, %mul3A_529 : i32
      %add3A_531 = arith.constant 3 : i32
      %add3A_532 = arith.addi %mul3A_530, %add3A_531 : i32
      %dma_start3A_533 = arith.constant 3 : i32
      %dma_start3A_534 = arith.constant 0 : i32
      %dma_start3A_535 = arith.constant 0 : i32
      %dma_start3A_536 = tpu.memref_slice %arg7[%dma_start3A_533, %dma_start3A_534, %dma_start3A_535] : memref<10x128x32xf32, #tpu.memory_space<vmem>> -> memref<1x128x32xf32, #tpu.memory_space<vmem>>
      %dma_start3A_537 = tpu.memref_squeeze %dma_start3A_536 : memref<1x128x32xf32, #tpu.memory_space<vmem>> -> memref<128x32xf32, #tpu.memory_space<vmem>>
      %dma_start3A_538 = arith.constant 0 : i32
      %dma_start3A_539 = tpu.memref_slice %arg5[%add3A_532, %dma_start3A_538] : memref<200x128xi32, #tpu.memory_space<vmem>> -> memref<1x128xi32, #tpu.memory_space<vmem>>
      %dma_start3A_540 = tpu.memref_squeeze %dma_start3A_539 : memref<1x128xi32, #tpu.memory_space<vmem>> -> memref<128xi32, #tpu.memory_space<vmem>>
      %dma_start3A_541 = arith.constant 0 : i32
      %dma_start3A_542 = arith.constant 0 : i32
      %dma_start3A_543 = tpu.memref_slice %arg3[%dma_start3A_541, %dma_start3A_542] : memref<1000000x32xf32, #tpu.memory_space<hbm>> -> memref<1000000x32xf32, #tpu.memory_space<hbm>>
      tpu.enqueue_indirect_dma source(%dma_start3A_543 : memref<1000000x32xf32, #tpu.memory_space<hbm>>) target(%dma_start3A_537 : memref<128x32xf32, #tpu.memory_space<vmem>>) offsets(%dma_start3A_540 : memref<128xi32, #tpu.memory_space<vmem>>) semaphore(%arg9 : memref<!tpu.dma_semaphore, #tpu.memory_space<semaphore_mem>>)
      %mul3A_544 = arith.constant 10 : i32
      %mul3A_545 = arith.muli %add3A_483, %mul3A_544 : i32
      %add3A_546 = arith.constant 4 : i32
      %add3A_547 = arith.addi %mul3A_545, %add3A_546 : i32
      %dma_start3A_548 = arith.constant 4 : i32
      %dma_start3A_549 = arith.constant 0 : i32
      %dma_start3A_550 = arith.constant 0 : i32
      %dma_start3A_551 = tpu.memref_slice %arg7[%dma_start3A_548, %dma_start3A_549, %dma_start3A_550] : memref<10x128x32xf32, #tpu.memory_space<vmem>> -> memref<1x128x32xf32, #tpu.memory_space<vmem>>
      %dma_start3A_552 = tpu.memref_squeeze %dma_start3A_551 : memref<1x128x32xf32, #tpu.memory_space<vmem>> -> memref<128x32xf32, #tpu.memory_space<vmem>>
      %dma_start3A_553 = arith.constant 0 : i32
      %dma_start3A_554 = tpu.memref_slice %arg5[%add3A_547, %dma_start3A_553] : memref<200x128xi32, #tpu.memory_space<vmem>> -> memref<1x128xi32, #tpu.memory_space<vmem>>
      %dma_start3A_555 = tpu.memref_squeeze %dma_start3A_554 : memref<1x128xi32, #tpu.memory_space<vmem>> -> memref<128xi32, #tpu.memory_space<vmem>>
      %dma_start3A_556 = arith.constant 0 : i32
      %dma_start3A_557 = arith.constant 0 : i32
      %dma_start3A_558 = tpu.memref_slice %arg3[%dma_start3A_556, %dma_start3A_557] : memref<1000000x32xf32, #tpu.memory_space<hbm>> -> memref<1000000x32xf32, #tpu.memory_space<hbm>>
      tpu.enqueue_indirect_dma source(%dma_start3A_558 : memref<1000000x32xf32, #tpu.memory_space<hbm>>) target(%dma_start3A_552 : memref<128x32xf32, #tpu.memory_space<vmem>>) offsets(%dma_start3A_555 : memref<128xi32, #tpu.memory_space<vmem>>) semaphore(%arg9 : memref<!tpu.dma_semaphore, #tpu.memory_space<semaphore_mem>>)
      %mul3A_559 = arith.constant 10 : i32
      %mul3A_560 = arith.muli %add3A_483, %mul3A_559 : i32
      %add3A_561 = arith.constant 5 : i32
      %add3A_562 = arith.addi %mul3A_560, %add3A_561 : i32
      %dma_start3A_563 = arith.constant 5 : i32
      %dma_start3A_564 = arith.constant 0 : i32
      %dma_start3A_565 = arith.constant 0 : i32
      %dma_start3A_566 = tpu.memref_slice %arg7[%dma_start3A_563, %dma_start3A_564, %dma_start3A_565] : memref<10x128x32xf32, #tpu.memory_space<vmem>> -> memref<1x128x32xf32, #tpu.memory_space<vmem>>
      %dma_start3A_567 = tpu.memref_squeeze %dma_start3A_566 : memref<1x128x32xf32, #tpu.memory_space<vmem>> -> memref<128x32xf32, #tpu.memory_space<vmem>>
      %dma_start3A_568 = arith.constant 0 : i32
      %dma_start3A_569 = tpu.memref_slice %arg5[%add3A_562, %dma_start3A_568] : memref<200x128xi32, #tpu.memory_space<vmem>> -> memref<1x128xi32, #tpu.memory_space<vmem>>
      %dma_start3A_570 = tpu.memref_squeeze %dma_start3A_569 : memref<1x128xi32, #tpu.memory_space<vmem>> -> memref<128xi32, #tpu.memory_space<vmem>>
      %dma_start3A_571 = arith.constant 0 : i32
      %dma_start3A_572 = arith.constant 0 : i32
      %dma_start3A_573 = tpu.memref_slice %arg3[%dma_start3A_571, %dma_start3A_572] : memref<1000000x32xf32, #tpu.memory_space<hbm>> -> memref<1000000x32xf32, #tpu.memory_space<hbm>>
      tpu.enqueue_indirect_dma source(%dma_start3A_573 : memref<1000000x32xf32, #tpu.memory_space<hbm>>) target(%dma_start3A_567 : memref<128x32xf32, #tpu.memory_space<vmem>>) offsets(%dma_start3A_570 : memref<128xi32, #tpu.memory_space<vmem>>) semaphore(%arg9 : memref<!tpu.dma_semaphore, #tpu.memory_space<semaphore_mem>>)
      %mul3A_574 = arith.constant 10 : i32
      %mul3A_575 = arith.muli %add3A_483, %mul3A_574 : i32
      %add3A_576 = arith.constant 6 : i32
      %add3A_577 = arith.addi %mul3A_575, %add3A_576 : i32
      %dma_start3A_578 = arith.constant 6 : i32
      %dma_start3A_579 = arith.constant 0 : i32
      %dma_start3A_580 = arith.constant 0 : i32
      %dma_start3A_581 = tpu.memref_slice %arg7[%dma_start3A_578, %dma_start3A_579, %dma_start3A_580] : memref<10x128x32xf32, #tpu.memory_space<vmem>> -> memref<1x128x32xf32, #tpu.memory_space<vmem>>
      %dma_start3A_582 = tpu.memref_squeeze %dma_start3A_581 : memref<1x128x32xf32, #tpu.memory_space<vmem>> -> memref<128x32xf32, #tpu.memory_space<vmem>>
      %dma_start3A_583 = arith.constant 0 : i32
      %dma_start3A_584 = tpu.memref_slice %arg5[%add3A_577, %dma_start3A_583] : memref<200x128xi32, #tpu.memory_space<vmem>> -> memref<1x128xi32, #tpu.memory_space<vmem>>
      %dma_start3A_585 = tpu.memref_squeeze %dma_start3A_584 : memref<1x128xi32, #tpu.memory_space<vmem>> -> memref<128xi32, #tpu.memory_space<vmem>>
      %dma_start3A_586 = arith.constant 0 : i32
      %dma_start3A_587 = arith.constant 0 : i32
      %dma_start3A_588 = tpu.memref_slice %arg3[%dma_start3A_586, %dma_start3A_587] : memref<1000000x32xf32, #tpu.memory_space<hbm>> -> memref<1000000x32xf32, #tpu.memory_space<hbm>>
      tpu.enqueue_indirect_dma source(%dma_start3A_588 : memref<1000000x32xf32, #tpu.memory_space<hbm>>) target(%dma_start3A_582 : memref<128x32xf32, #tpu.memory_space<vmem>>) offsets(%dma_start3A_585 : memref<128xi32, #tpu.memory_space<vmem>>) semaphore(%arg9 : memref<!tpu.dma_semaphore, #tpu.memory_space<semaphore_mem>>)
      %mul3A_589 = arith.constant 10 : i32
      %mul3A_590 = arith.muli %add3A_483, %mul3A_589 : i32
      %add3A_591 = arith.constant 7 : i32
      %add3A_592 = arith.addi %mul3A_590, %add3A_591 : i32
      %dma_start3A_593 = arith.constant 7 : i32
      %dma_start3A_594 = arith.constant 0 : i32
      %dma_start3A_595 = arith.constant 0 : i32
      %dma_start3A_596 = tpu.memref_slice %arg7[%dma_start3A_593, %dma_start3A_594, %dma_start3A_595] : memref<10x128x32xf32, #tpu.memory_space<vmem>> -> memref<1x128x32xf32, #tpu.memory_space<vmem>>
      %dma_start3A_597 = tpu.memref_squeeze %dma_start3A_596 : memref<1x128x32xf32, #tpu.memory_space<vmem>> -> memref<128x32xf32, #tpu.memory_space<vmem>>
      %dma_start3A_598 = arith.constant 0 : i32
      %dma_start3A_599 = tpu.memref_slice %arg5[%add3A_592, %dma_start3A_598] : memref<200x128xi32, #tpu.memory_space<vmem>> -> memref<1x128xi32, #tpu.memory_space<vmem>>
      %dma_start3A_600 = tpu.memref_squeeze %dma_start3A_599 : memref<1x128xi32, #tpu.memory_space<vmem>> -> memref<128xi32, #tpu.memory_space<vmem>>
      %dma_start3A_601 = arith.constant 0 : i32
      %dma_start3A_602 = arith.constant 0 : i32
      %dma_start3A_603 = tpu.memref_slice %arg3[%dma_start3A_601, %dma_start3A_602] : memref<1000000x32xf32, #tpu.memory_space<hbm>> -> memref<1000000x32xf32, #tpu.memory_space<hbm>>
      tpu.enqueue_indirect_dma source(%dma_start3A_603 : memref<1000000x32xf32, #tpu.memory_space<hbm>>) target(%dma_start3A_597 : memref<128x32xf32, #tpu.memory_space<vmem>>) offsets(%dma_start3A_600 : memref<128xi32, #tpu.memory_space<vmem>>) semaphore(%arg9 : memref<!tpu.dma_semaphore, #tpu.memory_space<semaphore_mem>>)
      %mul3A_604 = arith.constant 10 : i32
      %mul3A_605 = arith.muli %add3A_483, %mul3A_604 : i32
      %add3A_606 = arith.constant 8 : i32
      %add3A_607 = arith.addi %mul3A_605, %add3A_606 : i32
      %dma_start3A_608 = arith.constant 8 : i32
      %dma_start3A_609 = arith.constant 0 : i32
      %dma_start3A_610 = arith.constant 0 : i32
      %dma_start3A_611 = tpu.memref_slice %arg7[%dma_start3A_608, %dma_start3A_609, %dma_start3A_610] : memref<10x128x32xf32, #tpu.memory_space<vmem>> -> memref<1x128x32xf32, #tpu.memory_space<vmem>>
      %dma_start3A_612 = tpu.memref_squeeze %dma_start3A_611 : memref<1x128x32xf32, #tpu.memory_space<vmem>> -> memref<128x32xf32, #tpu.memory_space<vmem>>
      %dma_start3A_613 = arith.constant 0 : i32
      %dma_start3A_614 = tpu.memref_slice %arg5[%add3A_607, %dma_start3A_613] : memref<200x128xi32, #tpu.memory_space<vmem>> -> memref<1x128xi32, #tpu.memory_space<vmem>>
      %dma_start3A_615 = tpu.memref_squeeze %dma_start3A_614 : memref<1x128xi32, #tpu.memory_space<vmem>> -> memref<128xi32, #tpu.memory_space<vmem>>
      %dma_start3A_616 = arith.constant 0 : i32
      %dma_start3A_617 = arith.constant 0 : i32
      %dma_start3A_618 = tpu.memref_slice %arg3[%dma_start3A_616, %dma_start3A_617] : memref<1000000x32xf32, #tpu.memory_space<hbm>> -> memref<1000000x32xf32, #tpu.memory_space<hbm>>
      tpu.enqueue_indirect_dma source(%dma_start3A_618 : memref<1000000x32xf32, #tpu.memory_space<hbm>>) target(%dma_start3A_612 : memref<128x32xf32, #tpu.memory_space<vmem>>) offsets(%dma_start3A_615 : memref<128xi32, #tpu.memory_space<vmem>>) semaphore(%arg9 : memref<!tpu.dma_semaphore, #tpu.memory_space<semaphore_mem>>)
      %mul3A_619 = arith.constant 10 : i32
      %mul3A_620 = arith.muli %add3A_483, %mul3A_619 : i32
      %add3A_621 = arith.constant 9 : i32
      %add3A_622 = arith.addi %mul3A_620, %add3A_621 : i32
      %dma_start3A_623 = arith.constant 9 : i32
      %dma_start3A_624 = arith.constant 0 : i32
      %dma_start3A_625 = arith.constant 0 : i32
      %dma_start3A_626 = tpu.memref_slice %arg7[%dma_start3A_623, %dma_start3A_624, %dma_start3A_625] : memref<10x128x32xf32, #tpu.memory_space<vmem>> -> memref<1x128x32xf32, #tpu.memory_space<vmem>>
      %dma_start3A_627 = tpu.memref_squeeze %dma_start3A_626 : memref<1x128x32xf32, #tpu.memory_space<vmem>> -> memref<128x32xf32, #tpu.memory_space<vmem>>
      %dma_start3A_628 = arith.constant 0 : i32
      %dma_start3A_629 = tpu.memref_slice %arg5[%add3A_622, %dma_start3A_628] : memref<200x128xi32, #tpu.memory_space<vmem>> -> memref<1x128xi32, #tpu.memory_space<vmem>>
      %dma_start3A_630 = tpu.memref_squeeze %dma_start3A_629 : memref<1x128xi32, #tpu.memory_space<vmem>> -> memref<128xi32, #tpu.memory_space<vmem>>
      %dma_start3A_631 = arith.constant 0 : i32
      %dma_start3A_632 = arith.constant 0 : i32
      %dma_start3A_633 = tpu.memref_slice %arg3[%dma_start3A_631, %dma_start3A_632] : memref<1000000x32xf32, #tpu.memory_space<hbm>> -> memref<1000000x32xf32, #tpu.memory_space<hbm>>
      tpu.enqueue_indirect_dma source(%dma_start3A_633 : memref<1000000x32xf32, #tpu.memory_space<hbm>>) target(%dma_start3A_627 : memref<128x32xf32, #tpu.memory_space<vmem>>) offsets(%dma_start3A_630 : memref<128xi32, #tpu.memory_space<vmem>>) semaphore(%arg9 : memref<!tpu.dma_semaphore, #tpu.memory_space<semaphore_mem>>)
    }
    %scan3A_245 = arith.constant 9 : i32
    %dma_wait3A = arith.constant 0 : i32
    %dma_wait3A_246 = arith.constant 0 : i32
    %dma_wait3A_247 = arith.constant 0 : i32
    %dma_wait3A_248 = tpu.memref_slice %arg4[%dma_wait3A, %dma_wait3A_246, %dma_wait3A_247] : memref<200x4096x32xf32, #tpu.memory_space<hbm>> -> memref<10x128x32xf32, #tpu.memory_space<hbm>>
    %dma_wait3A_249 = arith.constant 0 : i32
    %dma_wait3A_250 = arith.constant 0 : i32
    %dma_wait3A_251 = arith.constant 0 : i32
    %dma_wait3A_252 = tpu.memref_slice %arg4[%dma_wait3A_249, %dma_wait3A_250, %dma_wait3A_251] : memref<200x4096x32xf32, #tpu.memory_space<hbm>> -> memref<10x128x32xf32, #tpu.memory_space<hbm>>
    tpu.wait_dma2 semaphore(%arg8 : memref<!tpu.dma_semaphore, #tpu.memory_space<semaphore_mem>>) src(%dma_wait3A_252 : memref<10x128x32xf32, #tpu.memory_space<hbm>>) dst(%arg6 : memref<10x128x32xf32, #tpu.memory_space<vmem>>)
    %dma_start3A_253 = arith.constant 180 : i32
    %dma_start3A_254 = arith.constant 0 : i32
    %dma_start3A_255 = tpu.memref_slice %arg4[%dma_start3A_253, %mul3A_2, %dma_start3A_254] : memref<200x4096x32xf32, #tpu.memory_space<hbm>> -> memref<10x128x32xf32, #tpu.memory_space<hbm>>
    %dma_start3A_256 = arith.constant 180 : i32
    %dma_start3A_257 = arith.constant 0 : i32
    %dma_start3A_258 = tpu.memref_slice %arg4[%dma_start3A_256, %mul3A_2, %dma_start3A_257] : memref<200x4096x32xf32, #tpu.memory_space<hbm>> -> memref<10x128x32xf32, #tpu.memory_space<hbm>>
    tpu.enqueue_dma source(%arg6 : memref<10x128x32xf32, #tpu.memory_space<vmem>>) target(%dma_start3A_258 : memref<10x128x32xf32, #tpu.memory_space<hbm>>) target_semaphore(%arg10 : memref<!tpu.dma_semaphore, #tpu.memory_space<semaphore_mem>>)
    %dma_wait3A_259 = arith.constant 180 : i32
    %dma_wait3A_260 = arith.constant 0 : i32
    %dma_wait3A_261 = tpu.memref_slice %arg4[%dma_wait3A_259, %mul3A_2, %dma_wait3A_260] : memref<200x4096x32xf32, #tpu.memory_space<hbm>> -> memref<10x128x32xf32, #tpu.memory_space<hbm>>
    %dma_wait3A_262 = arith.constant 180 : i32
    %dma_wait3A_263 = arith.constant 0 : i32
    %dma_wait3A_264 = tpu.memref_slice %arg4[%dma_wait3A_262, %mul3A_2, %dma_wait3A_263] : memref<200x4096x32xf32, #tpu.memory_space<hbm>> -> memref<10x128x32xf32, #tpu.memory_space<hbm>>
    tpu.wait_dma2 semaphore(%arg10 : memref<!tpu.dma_semaphore, #tpu.memory_space<semaphore_mem>>) src(%arg6 : memref<10x128x32xf32, #tpu.memory_space<vmem>>) dst(%dma_wait3A_264 : memref<10x128x32xf32, #tpu.memory_space<hbm>>)
    %dma_wait3A_265 = arith.constant 0 : i32
    %dma_wait3A_266 = arith.constant 0 : i32
    %dma_wait3A_267 = arith.constant 0 : i32
    %dma_wait3A_268 = tpu.memref_slice %arg4[%dma_wait3A_265, %dma_wait3A_266, %dma_wait3A_267] : memref<200x4096x32xf32, #tpu.memory_space<hbm>> -> memref<10x128x32xf32, #tpu.memory_space<hbm>>
    %dma_wait3A_269 = arith.constant 0 : i32
    %dma_wait3A_270 = arith.constant 0 : i32
    %dma_wait3A_271 = arith.constant 0 : i32
    %dma_wait3A_272 = tpu.memref_slice %arg4[%dma_wait3A_269, %dma_wait3A_270, %dma_wait3A_271] : memref<200x4096x32xf32, #tpu.memory_space<hbm>> -> memref<10x128x32xf32, #tpu.memory_space<hbm>>
    tpu.wait_dma2 semaphore(%arg9 : memref<!tpu.dma_semaphore, #tpu.memory_space<semaphore_mem>>) src(%dma_wait3A_272 : memref<10x128x32xf32, #tpu.memory_space<hbm>>) dst(%arg7 : memref<10x128x32xf32, #tpu.memory_space<vmem>>)
    %dma_start3A_273 = arith.constant 190 : i32
    %dma_start3A_274 = arith.constant 0 : i32
    %dma_start3A_275 = tpu.memref_slice %arg4[%dma_start3A_273, %mul3A_2, %dma_start3A_274] : memref<200x4096x32xf32, #tpu.memory_space<hbm>> -> memref<10x128x32xf32, #tpu.memory_space<hbm>>
    %dma_start3A_276 = arith.constant 190 : i32
    %dma_start3A_277 = arith.constant 0 : i32
    %dma_start3A_278 = tpu.memref_slice %arg4[%dma_start3A_276, %mul3A_2, %dma_start3A_277] : memref<200x4096x32xf32, #tpu.memory_space<hbm>> -> memref<10x128x32xf32, #tpu.memory_space<hbm>>
    tpu.enqueue_dma source(%arg7 : memref<10x128x32xf32, #tpu.memory_space<vmem>>) target(%dma_start3A_278 : memref<10x128x32xf32, #tpu.memory_space<hbm>>) target_semaphore(%arg11 : memref<!tpu.dma_semaphore, #tpu.memory_space<semaphore_mem>>)
    %dma_wait3A_279 = arith.constant 190 : i32
    %dma_wait3A_280 = arith.constant 0 : i32
    %dma_wait3A_281 = tpu.memref_slice %arg4[%dma_wait3A_279, %mul3A_2, %dma_wait3A_280] : memref<200x4096x32xf32, #tpu.memory_space<hbm>> -> memref<10x128x32xf32, #tpu.memory_space<hbm>>
    %dma_wait3A_282 = arith.constant 190 : i32
    %dma_wait3A_283 = arith.constant 0 : i32
    %dma_wait3A_284 = tpu.memref_slice %arg4[%dma_wait3A_282, %mul3A_2, %dma_wait3A_283] : memref<200x4096x32xf32, #tpu.memory_space<hbm>> -> memref<10x128x32xf32, #tpu.memory_space<hbm>>
    tpu.wait_dma2 semaphore(%arg11 : memref<!tpu.dma_semaphore, #tpu.memory_space<semaphore_mem>>) src(%arg7 : memref<10x128x32xf32, #tpu.memory_space<vmem>>) dst(%dma_wait3A_284 : memref<10x128x32xf32, #tpu.memory_space<hbm>>)
    return
  }
}

</mosaic_0001>

<sc_bundles>
// kernel: kernel.3.cloned.1.call-start
scs
__scs_entry_jumppad:
0x0: {  	(pc) =	sbr.rel $0x88, $3  }
0x1: {  	(tag) =	ssettag $0x0;
	lr =	simm.s32 $0x1  }
0x2: {  	[smem:$0x3F9F] =	sst lr;
	_ =	strace $0xD0000000  }
0x3: {  	_ = 	snop  }
0x4: {  	_ = 	snop  }
0x5: {  	_ = 	snop  }
0x6: {  	_ = 	snop  }
0x7: {  	_ = 	snop  }
__scs_overlays_trampoline_lowered:
0x8: {  	[smem:$0x3FAE] =	sst s0  }
0x9: {  	[smem:$0x3FAF] =	sst s1  }
0xa: {  	[smem:$0x3FB0] =	sst s2  }
0xb: {  	[smem:$0x3FB1] =	sst s3  }
0xc: {  	[smem:$0x3FB2] =	sst s4  }
0xd: {  	[smem:$0x3FB3] =	sst s5  }
0xe: {  	[smem:$0x3FB4] =	sst s6  }
0xf: {  	[smem:$0x3FB5] =	sst s7  }
0x10: {  	[smem:$0x3FB6] =	sst s8  }
0x11: {  	[smem:$0x3FB7] =	sst s9;
	s0 =	simm.s32 @!p0 $0x0  }
0x12: {  	s1 =	sld [smem:$0x3F9D];
	s0 =	simm.s32 @p0 $0x1  }
0x13: {  	[smem:$0x3FB8] =	sst s0;
	s0 =	simm.s32 @!p1 $0x0  }
0x14: {  	s2 =	sld [smem:$0x3F9C];
	s0 =	simm.s32 @p1 $0x1  }
0x15: {  	[smem:$0x3FB9] =	sst s0;
	s0 =	simm.s32 @!p2 $0x0  }
0x16: {  	s3 =	sld [smem:$0x3FDB];
	s0 =	simm.s32 @p2 $0x1  }
0x17: {  	s4 =	simm.s32 $0x1BF5;
	[smem:$0x3FBB] =	sst s0  }
0x18: {  	s0 =	sld [smem:$0x3F9E];
	_ =	swait.ge [sflag:s4], $0x0  }
0x19: {  	s7 =	sld [smem:$0x3F9F]  }
0x1a: {  	s8 =	sadd.s32 $0xFFFFE003, lr  }
0x1b: {  	s9 =	sadd.s32 $0xFFFFFEF7, lr;
	s5 =	simm.s32 $0xFFFFFFFF;
	p2 =	slt.u32 s8, $0xFFFFF086  }
0x1c: {  	p1 =	slt.u32 s9, $0xF7A;
	s5 =	simm.s32 @!p2 $0x0  }
0x1d: {  	s5 =	simm.s32 @p1 $0x1;
	p0 =	seq.s32 s7, s2  }
0x1e: {  	s7 =	smul.u32 @!p0 $0xF7A, s2;
	p2 =	seq.s32 @!p0 s5, $0x0  }
0x1f: {  	s9 =	smul.u32 $0xF7A, s1;
	s8 =	simm.s32 @!p0 $0x1BF5;
	p2 =	por !p2, p0  }
0x20: {  	[sflag:s8] =	ssyncset.s32 @!p0 $0xFFFFF086;
	s6 =	sadd.s32 @!p0 s3, s7;
	s7 =	simm.s32 @!p0 $0x108  }
0x21: {  	s3 =	sadd.s32 s3, s9;
	s6 =	sadd.s32 @!p0 $0x88, s6;
	s7 =	simm.s32 @p2 $0x1082  }
0x22: {  	[simem:s7], [sflag:s8] =	dma.local @!p0 [hbm:s6], $0xF7A  }
0x23: {  	s9 =	sor.u32 $0xD0000000, s2;
	s6 =	simm.s32 $0x108;
	_ =	swait.ge @!p0 [sflag:s8], $0x0  }
0x24: {  	s3 =	sadd.s32 $0x88, s3;
	s6 =	simm.s32 @!p1 $0x1082;
	[sflag:s4] =	ssyncset.s32 $0xFFFFF086  }
0x25: {  	[simem:s6], [sflag:s4] =	dma.local [hbm:s3], $0xF7A  }
0x26: {  	[smem:$0x3F9F] =	sst s1;
	(tag) =	ssettag s2;
	_ =	strace s9  }
0x27: {  	s1 =	sld [smem:$0x3FAF]  }
0x28: {  	s2 =	sld [smem:$0x3FB0]  }
0x29: {  	s4 =	sld [smem:$0x3FB2]  }
0x2a: {  	p0 =	seq.s32 s5, $0x0;
	s5 =	sld [smem:$0x3FB3]  }
0x2b: {  	s6 =	sld [smem:$0x3FB4]  }
0x2c: {  	s7 =	sld [smem:$0x3FB5]  }
0x2d: {  	s3 =	simm.s32 $0x108;
	s8 =	sld [smem:$0x3FB6]  }
0x2e: {  	s3 =	simm.s32 @!p0 $0x1082;
	s9 =	sld [smem:$0x3FB7]  }
0x2f: {  	lr =	sadd.s32 s0, s3;
	s0 =	sld [smem:$0x3FAE]  }
0x30: {  	s3 =	sld [smem:$0x3FB1]  }
0x31: {  	[smem:$0x3FBA] =	sst s10  }
0x32: {  	s10 =	sld [smem:$0x3FB8];
	_ =	sdelay $0x3  }
0x33: {  	p0 =	seq.s32 s10, $0x1;
	s10 =	sld [smem:$0x3FBA];
	_ =	sdelay $0x3  }
0x34: {  	[smem:$0x3FBA] =	sst s10  }
0x35: {  	s10 =	sld [smem:$0x3FB9];
	_ =	sdelay $0x3  }
0x36: {  	p1 =	seq.s32 s10, $0x1;
	s10 =	sld [smem:$0x3FBA];
	_ =	sdelay $0x3  }
0x37: {  	[smem:$0x3FBA] =	sst s10  }
0x38: {  	s10 =	sld [smem:$0x3FBB]  }
0x39: {  	_ = 	snop;
	(pc) =	sbr.ind lr, $3  }
0x3a: {  	_ = 	snop  }
0x3b: {  	_ = 	snop  }
0x3c: {  	p2 =	seq.s32 s10, $0x1;
	s10 =	sld [smem:$0x3FBA]  }
0x3d: {  	_ =	shalt  }
0x3e: {  	_ =	shalt  }
0x3f: {  	_ =	shalt  }
0x40: {  	_ =	shalt  }
0x41: {  	_ =	shalt  }
0x42: {  	_ =	shalt  }
0x43: {  	_ =	shalt  }
0x44: {  	_ =	shalt  }
0x45: {  	_ =	shalt  }
0x46: {  	_ =	shalt  }
0x47: {  	_ =	shalt  }
0x48: {  	_ =	shalt  }
0x49: {  	_ =	shalt  }
0x4a: {  	_ =	shalt  }
0x4b: {  	_ =	shalt  }
0x4c: {  	_ =	shalt  }
0x4d: {  	_ =	shalt  }
0x4e: {  	_ =	shalt  }
0x4f: {  	_ =	shalt  }
0x50: {  	_ =	shalt  }
0x51: {  	_ =	shalt  }
0x52: {  	_ =	shalt  }
0x53: {  	_ =	shalt  }
0x54: {  	_ =	shalt  }
0x55: {  	_ =	shalt  }
0x56: {  	_ =	shalt  }
0x57: {  	_ =	shalt  }
0x58: {  	_ =	shalt  }
0x59: {  	_ =	shalt  }
0x5a: {  	_ =	shalt  }
0x5b: {  	_ =	shalt  }
0x5c: {  	_ =	shalt  }
0x5d: {  	_ =	shalt  }
0x5e: {  	_ =	shalt  }
0x5f: {  	_ =	shalt  }
0x60: {  	_ =	shalt  }
0x61: {  	_ =	shalt  }
0x62: {  	_ =	shalt  }
0x63: {  	_ =	shalt  }
0x64: {  	_ =	shalt  }
0x65: {  	_ =	shalt  }
0x66: {  	_ =	shalt  }
0x67: {  	_ =	shalt  }
0x68: {  	_ =	shalt  }
0x69: {  	_ =	shalt  }
0x6a: {  	_ =	shalt  }
0x6b: {  	_ =	shalt  }
0x6c: {  	_ =	shalt  }
0x6d: {  	_ =	shalt  }
0x6e: {  	_ =	shalt  }
0x6f: {  	_ =	shalt  }
0x70: {  	_ =	shalt  }
0x71: {  	_ =	shalt  }
0x72: {  	_ =	shalt  }
0x73: {  	_ =	shalt  }
0x74: {  	_ =	shalt  }
0x75: {  	_ =	shalt  }
0x76: {  	_ =	shalt  }
0x77: {  	_ =	shalt  }
0x78: {  	_ =	shalt  }
0x79: {  	_ =	shalt  }
0x7a: {  	_ =	shalt  }
0x7b: {  	_ =	shalt  }
0x7c: {  	_ =	shalt  }
0x7d: {  	_ =	shalt  }
0x7e: {  	_ =	shalt  }
0x7f: {  	_ =	shalt  }
0x80: {  	_ =	shalt  }
0x81: {  	_ =	shalt  }
0x82: {  	_ =	shalt  }
0x83: {  	_ =	shalt  }
0x84: {  	_ =	shalt  }
0x85: {  	_ =	shalt  }
0x86: {  	_ =	shalt  }
0x87: {  	_ =	shalt  }
.Lfunc_end0:
.L_simem_size_0:
called_computation.1_lowered:
.L_overlay_start_0:
0x88: {  	s2 =	sld [smem:$0x3FD9]  }
0x89: {  	s3 =	sld [smem:$0x3FFE];
	_ =	sdelay $0x1  }
0x8a: {  	s1 =	srdreg.scid  }
0x8b: {  	s0 =	sand.u32 $0x1, s1  }
0x8c: {  	s17 =	sshll.u32 s0, $0xA;
	s2 =	sadd.s32 s3, s2  }
0x8d: {  	s2 =	sadd.s32 s2, s17  }
0x8e: {  	[smem:$0x3FC6] =	sst s2  }
0x8f: {  	_ = 	snop  }
0x90: {  	s2 =	sld [smem:$0x3FD0];
	(tm) =	ssettm $0x1  }
0x91: {  	s18 =	sld [smem:$0x3FFB];
	_ =	sdelay $0x3  }
0x92: {  	_ =	strace s18  }
0x93: {  	s3 =	sld [smem:$0x3FFC];
	_ =	sdelay $0x3  }
0x94: {  	_ =	strace s3  }
0x95: {  	s3 =	sld [smem:$0x3FFD];
	_ =	sdelay $0x3  }
0x96: {  	_ =	strace s3  }
0x97: {  	_ =	strace $0x8FFFFFFF  }
0x98: {  	s19 =	sld [smem:$0x3FDB];
	_ =	sdelay $0x1  }
0x99: {  	s4 =	simm.s32 $_scs_section_size  }
0x9a: {  	s5 =	simm.s32 $_size__tile_overlayer_lowered;
	s6 =	simm.s32 $_tile_overlayer_lowered  }
0x9b: {  	s22 =	simm.s32 $0x1BFF;
	s21 =	sshll.u32 s6, $0x1;
	s3 =	sadd.s32 s4, s19  }
0x9c: {  	s7 =	simm.s32 $0x0;
	s20 =	sshll.u32 s5, $0x1;
	s5 =	sadd.s32 s21, s3  }
0x9d: {  	[timem:s7], [sflag:s22] =	dma.local [hbm:s5], s20  }
0x9e: {  	_ =	swait.ge [sflag:s22], s20  }
0x9f: {  	s4 =	ssub.s32 $0x0, s20;
	[sflag:s22] =	ssyncset.done $0x0  }
0xa0: {  	[sflag:s22] =	ssyncadd.s32 s4;
	_ =	sdelay $0x1  }
0xa1: {  	s23 =	simm.s32 $0x1B8B  }
0xa2: {  	_ =	swait.ge [sflag:s23], $0x1  }
0xa3: {  	[sflag:s23] =	ssyncset.done $0x0  }
0xa4: {  	s25 =	simm.s32 $0x1B8E;
	s24 =	sld [smem:$0x3FFE];
	[sflag:s23] =	ssyncadd.s32 $0xFFFFFFFF  }
0xa5: {  	s26 =	simm.s32 $execute0_lowered;
	[smem:$0x3FD2] =	sst s25  }
0xa6: {  	s5 =	sshll.u32 s26, $0x1;
	_ =	strace $0x80000046;
	[dreg:$0x1] =	wrdreg $0xFFFFFFFF  }
0xa7: {  	s28 =	simm.s32 $_size_execute0_lowered;
	s3 =	sadd.s32 s3, s5;
	[dreg:$0x0] =	wrdreg $0x0  }
0xa8: {  	s5 =	sshll.u32 s28, $0x1;
	[dreg:$0x2] =	wrdreg s3  }
0xa9: {  	[dreg:$0x3] =	wrdreg s5  }
0xaa: {  	[dreg:$0x4] =	wrdreg $0xC0  }
0xab: {  	_ =	task [dreg:s7], $0x5FFFF  }
0xac: {  	[dreg:$0x1] =	wrdreg $0xFFFFFFFF  }
0xad: {  	[dreg:$0x0] =	wrdreg $0x60  }
0xae: {  	[dreg:$0x2] =	wrdreg s24  }
0xaf: {  	[dreg:$0x3] =	wrdreg s2  }
0xb0: {  	[dreg:$0x4] =	wrdreg $0x9  }
0xb1: {  	_ =	task.clear_ibuf [dreg:s7], $0x5FFFF;
	_ =	strace $0x90000046  }
0xb2: {  	s29 =	simm.s32 $0x9;
	_ =	strace $0x80000048  }
0xb3: {  	_ =	swait.ge [sflag:s29], $0x1  }
0xb4: {  	[sflag:s29] =	ssyncadd.s32 $0xFFFFFFFF  }
0xb5: {  	_ =	strace $0x90000048  }
0xb6: {  	_ =	sfence  }
0xb7: {  	s30 =	sld [smem:$0x0];
	_ =	sdelay $0x2  }
0xb8: {  	s31 =	sshll.u32 s1, $0xD;
	s1 =	sshrl.u32 s1, $0x2  }
0xb9: {  	s3 =	sand.u32 $0x4000, s31;
	s1 =	sadd.s32 s1, s30  }
0xba: {  	s0 =	sor.u32 s3, s0;
	s1 =	sshll.u32 s1, $0x11  }
0xbb: {  	s0 =	sor.u32 s1, s0  }
0xbc: {  	s0 =	sadd.s32 $0x8F2B, s0  }
0xbd: {  	[sflag:s0] =	ssyncadd.remote.s32 $0x1  }
0xbe: {  	_ =	sfence.sel $0xFFFF  }
0xbf: {  	[dreg:$0x0] =	wrdreg $0xFFFFFFFF;
	(pc) =	sbr.abs _section_cstart, $3  }
0xc0: {  	[dreg:$0x1] =	wrdreg $0xFFFFFFFF  }
0xc1: {  	_ =	task.clear_ibuf [dreg:s7], $0x2FFFF;
	_ =	strace $0x9FFFFFFF  }
0xc2: {  	(tm) =	ssettm $0x7FFFFFFF  }
0xc3: {  	_ =	shalt  }
tec
execute0_lowered:
.L_overlay_start_1:
0x0: {  	(tag) =	ssettag $0x1  }
0x1: {  	s0 =	rddreg [dreg:$0x0]  }
0x2: {  	s1 =	rddreg [dreg:$0x1]  }
0x3: {  	s2 =	srdreg.scid;
	s7 =	stileid.u32  }
0x4: {  	s5 =	simm.s32 $0x0;
	s10 =	simm.s32 $0x80;
	s11 =	simm.s32 $0x1000  }
0x5: {  	s13 =	simm.s32 $0x6400;
	s14 =	simm.s32 $0x7400;
	s16 =	simm.s32 $0x8400  }
0x6: {  	s18 =	simm.s32 $0x9400;
	s20 =	simm.s32 $0xA400;
	s17 =	simm.s32 $0xE400  }
0x7: {  	s29 =	simm.s32 $0x12400;
	s15 =	simm.s32 $0x13400;
	s28 =	simm.s32 $0x16400  }
0x8: {  	s19 =	simm.s32 $0x17400;
	s30 =	simm.s32 $0x18400;
	s9 =	simm.s32 $0x0  }
0x9: {  	s2 =	sand.u32 $0x1, s2;
	s3 =	sshll.u32 s7, $0x8;
	[smem:$0x7FF] =	sst s5  }
0xa: {  	s7 =	sshll.u32 s7, $0xD;
	s4 =	sshll.u32 s2, $0x7;
	_ =	strace $0x80000047  }
0xb: {  	s22 =	ssub.s32 $0x2, s2;
	s2 =	sshll.u32 s2, $0xC;
	s4 =	sor.u32 s4, s3  }
0xc: {  	s6 =	sshrl.u32 s22, $0x1;
	s2 =	sor.u32 s2, s7;
	s7 =	simm.s32 $0x4  }
0xd: {  	s3 =	sshrl.u32 s4, $0x3;
	s4 =	sshll.u32 s4, $0x2;
	s23 =	sor.u32 $0x140000, s2  }
0xe: {  	s31 =	sshrl.u32 s2, $0x3;
	s2 =	simm.s32 $0x1;
	s21 =	sadd.s32 s3, s0  }
0xf: {  	s3 =	sadd.s32 $0xF42E00, s0;
	s0 =	ssub.s32 s22, s6;
	s4 =	sadd.s32 s4, s1  }
0x10: {  	s25 =	sshrl.u32 s23, $0x3;
	s22 =	simm.s32 $0xB400;
	s5 =	sadd.s32 $0xA00, s21  }
0x11: {  	s23 =	simm.s32 $0x14400;
	s24 =	sadd.s32 $0x2D0000, s4;
	[dreg:$0x3] =	wrdreg s5  }
0x12: {  	s6 =	simm.s32 $0x2;
	s4 =	sadd.s32 $0x2F8000, s4;
	[dreg:$0x4] =	wrdreg s24  }
0x13: {  	s0 =	smax.u32 s0, $0x1;
	s26 =	sadd.s32 s25, s1;
	[dreg:$0x5] =	wrdreg s4  }
0x14: {  	s21 =	simm.s32 $0xF400;
	s25 =	simm.s32 $0x11400;
	[dreg:$0x6] =	wrdreg s0  }
0x15: {  	[dreg:$0x7] =	wrdreg s26;
	s0 =	sadd.s32 s31, s1;
	s24 =	simm.s32 $0xC400  }
0x16: {  	s26 =	simm.s32 $0xD400;
	s1 =	simm.s32 $0x10400;
	s4 =	simm.s32 $0x20000  }
0x17: {  	s5 =	simm.s32 $0x3;
	[dreg:$0x8] =	wrdreg s0;
	s0 =	simm.s32 $0x15400  }
.LBB2_1:
0x18: {  	[dreg:$0x9] =	wrdreg s9  }
0x19: {  	s8 =	simm.s32 $0x0;
	s12 =	rddreg [dreg:$0x3];
	s31 =	simm.s32 $0x5  }
0x1a: {  	[tilespmem:s8], [sflag:$0x5] =	stream.strided.gather [hbm4b:s12+s10], $0x6400, s11, s10, $0x38;
	[tilespmem:$0x1A400] =	vst v63  }
0x1b: {  	_ =	swait.ge [sflag:s31], $0x6400  }
0x1c: {  	[sflag:s31] =	ssyncset.done $0x0  }
0x1d: {  	[sflag:s31] =	ssyncadd.s32 $0xFFFF9C00  }
0x1e: {  	[tilespmem:s13], [sflag:$0x1] =	stream.indirect.gather [hbm4b:s3+s10], $0x20, s8, s10, $0xb8;
	[tilespmem:$0x1A400] =	vst v63  }
0x1f: {  	_ = 	snop  }
0x20: {  	[tilespmem:s14], [sflag:$0x1] =	stream.indirect.gather [hbm4b:s3+s10], $0x20, s10, s10, $0xb8;
	[tilespmem:$0x1A400] =	vst v63  }
0x21: {  	s12 =	simm.s32 $0x100  }
0x22: {  	[tilespmem:s16], [sflag:$0x1] =	stream.indirect.gather [hbm4b:s3+s10], $0x20, s12, s10, $0xb8;
	[tilespmem:$0x1A400] =	vst v63  }
0x23: {  	s31 =	simm.s32 $0x180  }
0x24: {  	[tilespmem:s18], [sflag:$0x1] =	stream.indirect.gather [hbm4b:s3+s10], $0x20, s31, s10, $0xb8;
	[tilespmem:$0x1A400] =	vst v63  }
0x25: {  	s9 =	simm.s32 $0x200  }
0x26: {  	[tilespmem:s20], [sflag:$0x1] =	stream.indirect.gather [hbm4b:s3+s10], $0x20, s9, s10, $0xb8;
	[tilespmem:$0x1A400] =	vst v63  }
0x27: {  	s12 =	simm.s32 $0x280  }
0x28: {  	[tilespmem:s22], [sflag:$0x1] =	stream.indirect.gather [hbm4b:s3+s10], $0x20, s12, s10, $0xb8;
	[tilespmem:$0x1A400] =	vst v63  }
0x29: {  	s31 =	simm.s32 $0x300  }
0x2a: {  	[tilespmem:s24], [sflag:$0x1] =	stream.indirect.gather [hbm4b:s3+s10], $0x20, s31, s10, $0xb8;
	[tilespmem:$0x1A400] =	vst v63  }
0x2b: {  	s9 =	simm.s32 $0x380  }
0x2c: {  	[tilespmem:s26], [sflag:$0x1] =	stream.indirect.gather [hbm4b:s3+s10], $0x20, s9, s10, $0xb8;
	[tilespmem:$0x1A400] =	vst v63  }
0x2d: {  	s12 =	simm.s32 $0x400  }
0x2e: {  	[tilespmem:s17], [sflag:$0x1] =	stream.indirect.gather [hbm4b:s3+s10], $0x20, s12, s10, $0xb8;
	[tilespmem:$0x1A400] =	vst v63  }
0x2f: {  	s31 =	simm.s32 $0x480  }
0x30: {  	[tilespmem:s21], [sflag:$0x1] =	stream.indirect.gather [hbm4b:s3+s10], $0x20, s31, s10, $0xb8;
	[tilespmem:$0x1A400] =	vst v63  }
0x31: {  	s9 =	simm.s32 $0x500  }
0x32: {  	[tilespmem:s1], [sflag:$0x2] =	stream.indirect.gather [hbm4b:s3+s10], $0x20, s9, s10, $0xb8;
	[tilespmem:$0x1A400] =	vst v63  }
0x33: {  	s12 =	simm.s32 $0x580  }
0x34: {  	[tilespmem:s25], [sflag:$0x2] =	stream.indirect.gather [hbm4b:s3+s10], $0x20, s12, s10, $0xb8;
	[tilespmem:$0x1A400] =	vst v63  }
0x35: {  	s31 =	simm.s32 $0x600  }
0x36: {  	[tilespmem:s29], [sflag:$0x2] =	stream.indirect.gather [hbm4b:s3+s10], $0x20, s31, s10, $0xb8;
	[tilespmem:$0x1A400] =	vst v63  }
0x37: {  	s9 =	simm.s32 $0x680  }
0x38: {  	[tilespmem:s15], [sflag:$0x2] =	stream.indirect.gather [hbm4b:s3+s10], $0x20, s9, s10, $0xb8;
	[tilespmem:$0x1A400] =	vst v63  }
0x39: {  	s12 =	simm.s32 $0x700  }
0x3a: {  	[tilespmem:s23], [sflag:$0x2] =	stream.indirect.gather [hbm4b:s3+s10], $0x20, s12, s10, $0xb8;
	[tilespmem:$0x1A400] =	vst v63  }
0x3b: {  	s31 =	simm.s32 $0x780  }
0x3c: {  	[tilespmem:s0], [sflag:$0x2] =	stream.indirect.gather [hbm4b:s3+s10], $0x20, s31, s10, $0xb8;
	[tilespmem:$0x1A400] =	vst v63  }
0x3d: {  	s9 =	simm.s32 $0x800  }
0x3e: {  	[tilespmem:s28], [sflag:$0x2] =	stream.indirect.gather [hbm4b:s3+s10], $0x20, s9, s10, $0xb8;
	[tilespmem:$0x1A400] =	vst v63  }
0x3f: {  	s12 =	simm.s32 $0x880  }
0x40: {  	[tilespmem:s19], [sflag:$0x2] =	stream.indirect.gather [hbm4b:s3+s10], $0x20, s12, s10, $0xb8;
	[tilespmem:$0x1A400] =	vst v63  }
0x41: {  	s31 =	simm.s32 $0x900  }
0x42: {  	[tilespmem:s30], [sflag:$0x2] =	stream.indirect.gather [hbm4b:s3+s10], $0x20, s31, s10, $0xb8;
	[tilespmem:$0x1A400] =	vst v63  }
0x43: {  	s9 =	simm.s32 $0x19400;
	s12 =	simm.s32 $0x980  }
0x44: {  	[tilespmem:s9], [sflag:$0x2] =	stream.indirect.gather [hbm4b:s3+s10], $0x20, s12, s10, $0xb8;
	[tilespmem:$0x1A400] =	vst v63  }
0x45: {  	_ =	swait.ge [sflag:s2], $0xA000  }
0x46: {  	[sflag:s2] =	ssyncset.done $0x0  }
0x47: {  	s12 =	rddreg [dreg:$0x8];
	[sflag:s2] =	ssyncadd.s32 $0xFFFF6000  }
0x48: {  	[hbm4b:s12+s11] =	stream.strided.scatter [tilespmem:s13], [sflag:$0x3], $0xA000, s4, s11, $0x38;
	[tilespmem:$0x1A400] =	vst v63  }
0x49: {  	_ =	swait.ge [sflag:s5], $0xA000  }
0x4a: {  	[sflag:s5] =	ssyncset.done $0x0  }
0x4b: {  	s31 =	simm.s32 $0xA00;
	[sflag:s5] =	ssyncadd.s32 $0xFFFF6000  }
0x4c: {  	[tilespmem:s13], [sflag:$0x1] =	stream.indirect.gather [hbm4b:s3+s10], $0x20, s31, s10, $0xb8;
	[tilespmem:$0x1A400] =	vst v63  }
0x4d: {  	s9 =	simm.s32 $0xA80  }
0x4e: {  	[tilespmem:s14], [sflag:$0x1] =	stream.indirect.gather [hbm4b:s3+s10], $0x20, s9, s10, $0xb8;
	[tilespmem:$0x1A400] =	vst v63  }
0x4f: {  	s14 =	simm.s32 $0xB00  }
0x50: {  	[tilespmem:s16], [sflag:$0x1] =	stream.indirect.gather [hbm4b:s3+s10], $0x20, s14, s10, $0xb8;
	[tilespmem:$0x1A400] =	vst v63  }
0x51: {  	s16 =	simm.s32 $0xB80  }
0x52: {  	[tilespmem:s18], [sflag:$0x1] =	stream.indirect.gather [hbm4b:s3+s10], $0x20, s16, s10, $0xb8;
	[tilespmem:$0x1A400] =	vst v63  }
0x53: {  	s18 =	simm.s32 $0xC00  }
0x54: {  	[tilespmem:s20], [sflag:$0x1] =	stream.indirect.gather [hbm4b:s3+s10], $0x20, s18, s10, $0xb8;
	[tilespmem:$0x1A400] =	vst v63  }
0x55: {  	s20 =	simm.s32 $0xC80  }
0x56: {  	[tilespmem:s22], [sflag:$0x1] =	stream.indirect.gather [hbm4b:s3+s10], $0x20, s20, s10, $0xb8;
	[tilespmem:$0x1A400] =	vst v63  }
0x57: {  	s22 =	simm.s32 $0xD00  }
0x58: {  	[tilespmem:s24], [sflag:$0x1] =	stream.indirect.gather [hbm4b:s3+s10], $0x20, s22, s10, $0xb8;
	[tilespmem:$0x1A400] =	vst v63  }
0x59: {  	s31 =	simm.s32 $0xD80  }
0x5a: {  	[tilespmem:s26], [sflag:$0x1] =	stream.indirect.gather [hbm4b:s3+s10], $0x20, s31, s10, $0xb8;
	[tilespmem:$0x1A400] =	vst v63  }
0x5b: {  	s9 =	simm.s32 $0xE00  }
0x5c: {  	[tilespmem:s17], [sflag:$0x1] =	stream.indirect.gather [hbm4b:s3+s10], $0x20, s9, s10, $0xb8;
	[tilespmem:$0x1A400] =	vst v63  }
0x5d: {  	s14 =	simm.s32 $0xE80  }
0x5e: {  	[tilespmem:s21], [sflag:$0x1] =	stream.indirect.gather [hbm4b:s3+s10], $0x20, s14, s10, $0xb8;
	[tilespmem:$0x1A400] =	vst v63  }
0x5f: {  	_ =	swait.ge [sflag:s6], $0xA000  }
0x60: {  	[sflag:s6] =	ssyncset.done $0x0  }
0x61: {  	s16 =	rddreg [dreg:$0x7];
	[sflag:s6] =	ssyncadd.s32 $0xFFFF6000  }
0x62: {  	[hbm4b:s16+s11] =	stream.strided.scatter [tilespmem:s1], [sflag:$0x4], $0xA000, s4, s11, $0x38;
	[tilespmem:$0x1A400] =	vst v63  }
0x63: {  	_ =	swait.ge [sflag:s7], $0xA000  }
0x64: {  	[sflag:s7] =	ssyncset.done $0x0  }
0x65: {  	s17 =	simm.s32 $0xF00;
	[sflag:s7] =	ssyncadd.s32 $0xFFFF6000  }
0x66: {  	[tilespmem:s1], [sflag:$0x2] =	stream.indirect.gather [hbm4b:s3+s10], $0x20, s17, s10, $0xb8;
	[tilespmem:$0x1A400] =	vst v63  }
0x67: {  	s8 =	simm.s32 $0x2800;
	s12 =	sadd.s32 $0x50000, s12;
	s18 =	simm.s32 $0xF80  }
0x68: {  	[tilespmem:s25], [sflag:$0x2] =	stream.indirect.gather [hbm4b:s3+s10], $0x20, s18, s10, $0xb8;
	[tilespmem:$0x1A400] =	vst v63  }
0x69: {  	s20 =	simm.s32 $0x1000;
	s22 =	simm.s32 $0x1100;
	s24 =	simm.s32 $0x1180  }
0x6a: {  	[tilespmem:s29], [sflag:$0x2] =	stream.indirect.gather [hbm4b:s3+s10], $0x20, s20, s10, $0xb8;
	[tilespmem:$0x1A400] =	vst v63  }
0x6b: {  	s26 =	simm.s32 $0x1280;
	s31 =	simm.s32 $0x1300;
	s21 =	simm.s32 $0x1080  }
0x6c: {  	[tilespmem:s15], [sflag:$0x2] =	stream.indirect.gather [hbm4b:s3+s10], $0x20, s21, s10, $0xb8;
	[tilespmem:$0x1A400] =	vst v63  }
0x6d: {  	s14 =	simm.s32 $0x1380;
	s9 =	sadd.s32 $0x50000, s16;
	s17 =	simm.s32 $0xE400  }
0x6e: {  	[tilespmem:s23], [sflag:$0x2] =	stream.indirect.gather [hbm4b:s3+s10], $0x20, s22, s10, $0xb8;
	[tilespmem:$0x1A400] =	vst v63  }
0x6f: {  	s25 =	simm.s32 $0x1200;
	s18 =	simm.s32 $0x7400;
	s29 =	simm.s32 $0xC400  }
0x70: {  	[tilespmem:s0], [sflag:$0x2] =	stream.indirect.gather [hbm4b:s3+s10], $0x20, s24, s10, $0xb8;
	[tilespmem:$0x1A400] =	vst v63  }
0x71: {  	s20 =	simm.s32 $0x8400;
	s21 =	simm.s32 $0xF400;
	s15 =	simm.s32 $0x13400  }
0x72: {  	[tilespmem:s28], [sflag:$0x2] =	stream.indirect.gather [hbm4b:s3+s10], $0x20, s25, s10, $0xb8;
	[tilespmem:$0x1A400] =	vst v63  }
0x73: {  	s23 =	simm.s32 $0x14400;
	s22 =	simm.s32 $0x18400;
	s0 =	simm.s32 $0x15400  }
0x74: {  	[tilespmem:s19], [sflag:$0x2] =	stream.indirect.gather [hbm4b:s3+s10], $0x20, s26, s10, $0xb8;
	[tilespmem:$0x1A400] =	vst v63  }
0x75: {  	s24 =	simm.s32 $0xA400;
	s25 =	simm.s32 $0x11400;
	s28 =	simm.s32 $0x16400  }
0x76: {  	[tilespmem:s30], [sflag:$0x2] =	stream.indirect.gather [hbm4b:s3+s10], $0x20, s31, s10, $0xb8;
	[tilespmem:$0x1A400] =	vst v63  }
0x77: {  	s26 =	simm.s32 $0xB400;
	s19 =	simm.s32 $0x17400;
	s30 =	simm.s32 $0x12400  }
.LBB2_2:
0x78: {  	s16 =	simm.s32 $0x19400  }
0x79: {  	[tilespmem:s16], [sflag:$0x2] =	stream.indirect.gather [hbm4b:s3+s10], $0x20, s14, s10, $0xb8;
	[tilespmem:$0x1A400] =	vst v63  }
0x7a: {  	s14 =	smov.u32 s8  }
0x7b: {  	p0 =	sne.s32 s8, $0x14000;
	s8 =	sadd.s32 $0x2800, s8;
	_ =	swait.ge [sflag:s2], $0xA000  }
0x7c: {  	[sflag:s2] =	ssyncset.done $0x0  }
0x7d: {  	[sflag:s2] =	ssyncadd.s32 $0xFFFF6000  }
0x7e: {  	[hbm4b:s12+s11] =	stream.strided.scatter [tilespmem:s13], [sflag:$0x3], $0xA000, s4, s11, $0x38;
	[tilespmem:$0x1A400] =	vst v63  }
0x7f: {  	_ =	swait.ge [sflag:s5], $0xA000  }
0x80: {  	s14 =	sshra.s32 s14, $0x2;
	[sflag:s5] =	ssyncset.done $0x0  }
0x81: {  	s16 =	sadd.s32 $0xA00, s14;
	[sflag:s5] =	ssyncadd.s32 $0xFFFF6000  }
0x82: {  	[tilespmem:s13], [sflag:$0x1] =	stream.indirect.gather [hbm4b:s3+s10], $0x20, s16, s10, $0xb8;
	[tilespmem:$0x1A400] =	vst v63  }
0x83: {  	s16 =	sadd.s32 $0xA80, s14  }
0x84: {  	[tilespmem:s18], [sflag:$0x1] =	stream.indirect.gather [hbm4b:s3+s10], $0x20, s16, s10, $0xb8;
	[tilespmem:$0x1A400] =	vst v63  }
0x85: {  	s16 =	sadd.s32 $0xB00, s14  }
0x86: {  	[tilespmem:s20], [sflag:$0x1] =	stream.indirect.gather [hbm4b:s3+s10], $0x20, s16, s10, $0xb8;
	[tilespmem:$0x1A400] =	vst v63  }
0x87: {  	s31 =	simm.s32 $0x9400;
	s16 =	sadd.s32 $0xB80, s14  }
0x88: {  	[tilespmem:s31], [sflag:$0x1] =	stream.indirect.gather [hbm4b:s3+s10], $0x20, s16, s10, $0xb8;
	[tilespmem:$0x1A400] =	vst v63  }
0x89: {  	s16 =	sadd.s32 $0xC00, s14  }
0x8a: {  	[tilespmem:s24], [sflag:$0x1] =	stream.indirect.gather [hbm4b:s3+s10], $0x20, s16, s10, $0xb8;
	[tilespmem:$0x1A400] =	vst v63  }
0x8b: {  	s16 =	sadd.s32 $0xC80, s14  }
0x8c: {  	[tilespmem:s26], [sflag:$0x1] =	stream.indirect.gather [hbm4b:s3+s10], $0x20, s16, s10, $0xb8;
	[tilespmem:$0x1A400] =	vst v63  }
0x8d: {  	s16 =	sadd.s32 $0xD00, s14  }
0x8e: {  	[tilespmem:s29], [sflag:$0x1] =	stream.indirect.gather [hbm4b:s3+s10], $0x20, s16, s10, $0xb8;
	[tilespmem:$0x1A400] =	vst v63  }
0x8f: {  	s31 =	simm.s32 $0xD400;
	s16 =	sadd.s32 $0xD80, s14  }
0x90: {  	[tilespmem:s31], [sflag:$0x1] =	stream.indirect.gather [hbm4b:s3+s10], $0x20, s16, s10, $0xb8;
	[tilespmem:$0x1A400] =	vst v63  }
0x91: {  	s16 =	sadd.s32 $0xE00, s14  }
0x92: {  	[tilespmem:s17], [sflag:$0x1] =	stream.indirect.gather [hbm4b:s3+s10], $0x20, s16, s10, $0xb8;
	[tilespmem:$0x1A400] =	vst v63  }
0x93: {  	s16 =	sadd.s32 $0xE80, s14  }
0x94: {  	[tilespmem:s21], [sflag:$0x1] =	stream.indirect.gather [hbm4b:s3+s10], $0x20, s16, s10, $0xb8;
	[tilespmem:$0x1A400] =	vst v63  }
0x95: {  	_ =	swait.ge [sflag:s6], $0xA000  }
0x96: {  	[sflag:s6] =	ssyncset.done $0x0  }
0x97: {  	[sflag:s6] =	ssyncadd.s32 $0xFFFF6000  }
0x98: {  	[hbm4b:s9+s11] =	stream.strided.scatter [tilespmem:s1], [sflag:$0x4], $0xA000, s4, s11, $0x38;
	[tilespmem:$0x1A400] =	vst v63  }
0x99: {  	_ =	swait.ge [sflag:s7], $0xA000  }
0x9a: {  	[sflag:s7] =	ssyncset.done $0x0  }
0x9b: {  	s16 =	sadd.s32 $0xF00, s14;
	[sflag:s7] =	ssyncadd.s32 $0xFFFF6000  }
0x9c: {  	[tilespmem:s1], [sflag:$0x2] =	stream.indirect.gather [hbm4b:s3+s10], $0x20, s16, s10, $0xb8;
	[tilespmem:$0x1A400] =	vst v63  }
0x9d: {  	s16 =	sadd.s32 $0xF80, s14  }
0x9e: {  	[tilespmem:s25], [sflag:$0x2] =	stream.indirect.gather [hbm4b:s3+s10], $0x20, s16, s10, $0xb8;
	[tilespmem:$0x1A400] =	vst v63  }
0x9f: {  	s16 =	sadd.s32 $0x1000, s14  }
0xa0: {  	[tilespmem:s30], [sflag:$0x2] =	stream.indirect.gather [hbm4b:s3+s10], $0x20, s16, s10, $0xb8;
	[tilespmem:$0x1A400] =	vst v63  }
0xa1: {  	s16 =	sadd.s32 $0x1080, s14  }
0xa2: {  	[tilespmem:s15], [sflag:$0x2] =	stream.indirect.gather [hbm4b:s3+s10], $0x20, s16, s10, $0xb8;
	[tilespmem:$0x1A400] =	vst v63  }
0xa3: {  	s16 =	sadd.s32 $0x1100, s14  }
0xa4: {  	[tilespmem:s23], [sflag:$0x2] =	stream.indirect.gather [hbm4b:s3+s10], $0x20, s16, s10, $0xb8;
	[tilespmem:$0x1A400] =	vst v63  }
0xa5: {  	s16 =	sadd.s32 $0x1180, s14  }
0xa6: {  	[tilespmem:s0], [sflag:$0x2] =	stream.indirect.gather [hbm4b:s3+s10], $0x20, s16, s10, $0xb8;
	[tilespmem:$0x1A400] =	vst v63  }
0xa7: {  	s16 =	sadd.s32 $0x1200, s14  }
0xa8: {  	[tilespmem:s28], [sflag:$0x2] =	stream.indirect.gather [hbm4b:s3+s10], $0x20, s16, s10, $0xb8;
	[tilespmem:$0x1A400] =	vst v63  }
.Ltmp0:
0xa9: {  	s16 =	sadd.s32 $0x1280, s14;
	(pc) =	sbr.rel @p0 .LBB2_2-.Ltmp0, $4  }
0xaa: {  	[tilespmem:s19], [sflag:$0x2] =	stream.indirect.gather [hbm4b:s3+s10], $0x20, s16, s10, $0xb8;
	[tilespmem:$0x1A400] =	vst v63  }
0xab: {  	s16 =	sadd.s32 $0x1300, s14  }
0xac: {  	[tilespmem:s22], [sflag:$0x2] =	stream.indirect.gather [hbm4b:s3+s10], $0x20, s16, s10, $0xb8;
	[tilespmem:$0x1A400] =	vst v63  }
0xad: {  	s12 =	sadd.s32 $0x50000, s12;
	s9 =	sadd.s32 $0x50000, s9;
	s14 =	sadd.s32 $0x1380, s14  }
0xae: {  	s0 =	simm.s32 $0x19400  }
0xaf: {  	[tilespmem:s0], [sflag:$0x2] =	stream.indirect.gather [hbm4b:s3+s10], $0x20, s14, s10, $0xb8;
	[tilespmem:$0x1A400] =	vst v63  }
0xb0: {  	_ =	swait.ge [sflag:s2], $0xA000  }
0xb1: {  	[sflag:s2] =	ssyncset.done $0x0  }
0xb2: {  	s8 =	rddreg [dreg:$0x4];
	[sflag:s2] =	ssyncadd.s32 $0xFFFF6000  }
0xb3: {  	[hbm4b:s8+s11] =	stream.strided.scatter [tilespmem:s13], [sflag:$0x3], $0xA000, s4, s11, $0x38;
	[tilespmem:$0x1A400] =	vst v63  }
0xb4: {  	_ =	swait.ge [sflag:s5], $0xA000  }
0xb5: {  	[sflag:s5] =	ssyncset.done $0x0  }
0xb6: {  	[sflag:s5] =	ssyncadd.s32 $0xFFFF6000  }
0xb7: {  	_ =	swait.ge [sflag:s6], $0xA000  }
0xb8: {  	[sflag:s6] =	ssyncset.done $0x0  }
0xb9: {  	s26 =	rddreg [dreg:$0x5];
	[sflag:s6] =	ssyncadd.s32 $0xFFFF6000  }
0xba: {  	[hbm4b:s26+s11] =	stream.strided.scatter [tilespmem:s1], [sflag:$0x4], $0xA000, s4, s11, $0x38;
	[tilespmem:$0x1A400] =	vst v63  }
0xbb: {  	_ =	swait.ge [sflag:s7], $0xA000  }
0xbc: {  	s16 =	simm.s32 $0x8400;
	s18 =	simm.s32 $0x9400;
	s9 =	rddreg [dreg:$0x9]  }
0xbd: {  	s20 =	simm.s32 $0xA400;
	s31 =	rddreg [dreg:$0x6];
	s9 =	sadd.s32 $0x1, s9  }
0xbe: {  	s22 =	simm.s32 $0xB400;
	s24 =	simm.s32 $0xC400;
	p0 =	sne.s32 s9, s31  }
.Ltmp1:
0xbf: {  	s17 =	simm.s32 $0xE400;
	s21 =	simm.s32 $0xF400;
	(pc) =	sbr.rel @p0 .LBB2_1-.Ltmp1, $4  }
0xc0: {  	s25 =	simm.s32 $0x11400;
	s29 =	simm.s32 $0x12400;
	s15 =	simm.s32 $0x13400  }
0xc1: {  	s23 =	simm.s32 $0x14400;
	s28 =	simm.s32 $0x16400;
	s19 =	simm.s32 $0x17400  }
0xc2: {  	s30 =	simm.s32 $0x18400;
	s14 =	simm.s32 $0x7400;
	[sflag:s7] =	ssyncset.done $0x0  }
0xc3: {  	s0 =	simm.s32 $0x15400;
	s26 =	simm.s32 $0xD400;
	[sflag:s7] =	ssyncadd.s32 $0xFFFF6000  }
0xc4: {  	_ =	sfence.sel $0x180000  }
0xc5: {  	[bflag:$0x0] =	sbarrier.arrive $0xFFFF  }
0xc6: {  	_ =	strace $0x90000047  }
0xc7: {  	s0 =	stileid.u32;
	[bflag:$0x2] =	sbarrier.arrive $0xFFFF  }
0xc8: {  	p0 =	sne.s32 s0, $0x0;
	s0 =	rddreg [dreg:$0x2]  }
0xc9: {  	s0 =	sadd.s32 @!p0 $0x100000, s0  }
0xca: {  	[sflag:s0] =	ssyncadd.tile.s32 @!p0 $0x1;
	_ =	shalt  }
.Lfunc_end2:
_tile_overlayer_lowered:
.L_overlay_start_2:
0xcb: {  	(tag) =	ssettag $0x2  }
0xcc: {  	s0 =	rddreg [dreg:$0x0];
	s2 =	stileid.u32  }
0xcd: {  	s1 =	rddreg [dreg:$0x1];
	p0 =	sne.s32 s2, $0x0  }
0xce: {  	s3 =	rddreg [dreg:$0x2];
	[bflag:$0x3] =	sbarrier.arrive $0xFFFF;
	s2 =	simm.s32 @!p0 $0x1C05  }
0xcf: {  	[timem:s3], [sflag:s2] =	dma.local @!p0 [hbm:s0], s1  }
0xd0: {  	s0 =	simm.s32 @!p0 $0x5  }
0xd1: {  	_ =	swait.ge @!p0 [sflag:s0], s1  }
0xd2: {  	s1 =	ssub.s32 @!p0 $0x0, s1;
	[sflag:s0] =	ssyncset.done @!p0 $0x0  }
0xd3: {  	[sflag:s0] =	ssyncadd.s32 @!p0 s1  }
0xd4: {  	[bflag:$0x3] =	sbarrier.arrive $0xFFFF  }
0xd5: {  	_ =	shalt  }

// kernel: sparse-core-data-format-call.cloned.1.call-start
scs
called_computation_lowered:
.L_overlay_start_0:
0x0: {  	s2 =	sld [smem:$0x3FD9]  }
0x1: {  	s3 =	sld [smem:$0x3FFE];
	_ =	sdelay $0x1  }
0x2: {  	s1 =	srdreg.scid  }
0x3: {  	s0 =	sand.u32 $0x1, s1  }
0x4: {  	s18 =	sshll.u32 s0, $0xA;
	s2 =	sadd.s32 s3, s2  }
0x5: {  	s2 =	sadd.s32 s2, s18  }
0x6: {  	[smem:$0x3FC6] =	sst s2  }
0x7: {  	_ = 	snop  }
0x8: {  	s2 =	sld [smem:$0x3FD0];
	(tm) =	ssettm $0x1  }
0x9: {  	s19 =	sld [smem:$0x3FFB];
	_ =	sdelay $0x3  }
0xa: {  	_ =	strace s19  }
0xb: {  	s3 =	sld [smem:$0x3FFC];
	_ =	sdelay $0x3  }
0xc: {  	_ =	strace s3  }
0xd: {  	s3 =	sld [smem:$0x3FFD];
	_ =	sdelay $0x3  }
0xe: {  	_ =	strace s3  }
0xf: {  	_ =	strace $0x8FFFFFFF  }
0x10: {  	s20 =	sld [smem:$0x3FDB];
	_ =	sdelay $0x1  }
0x11: {  	s4 =	simm.s32 $_scs_section_size  }
0x12: {  	s5 =	simm.s32 $_size__tile_overlayer_lowered;
	s6 =	simm.s32 $_tile_overlayer_lowered  }
0x13: {  	s23 =	simm.s32 $0x1BFF;
	s22 =	sshll.u32 s6, $0x1;
	s3 =	sadd.s32 s4, s20  }
0x14: {  	s7 =	simm.s32 $0x0;
	s21 =	sshll.u32 s5, $0x1;
	s5 =	sadd.s32 s22, s3  }
0x15: {  	[timem:s7], [sflag:s23] =	dma.local [hbm:s5], s21  }
0x16: {  	_ =	swait.ge [sflag:s23], s21  }
0x17: {  	s4 =	ssub.s32 $0x0, s21;
	[sflag:s23] =	ssyncset.done $0x0  }
0x18: {  	[sflag:s23] =	ssyncadd.s32 s4;
	_ =	sdelay $0x1  }
0x19: {  	s24 =	simm.s32 $0x1B8B  }
0x1a: {  	_ =	swait.ge [sflag:s24], $0x1  }
0x1b: {  	[sflag:s24] =	ssyncset.done $0x0  }
0x1c: {  	s26 =	simm.s32 $0x1B8E;
	s25 =	sld [smem:$0x3FFE];
	[sflag:s24] =	ssyncadd.s32 $0xFFFFFFFF  }
0x1d: {  	s27 =	simm.s32 $execute0_lowered;
	[smem:$0x3FD2] =	sst s26  }
0x1e: {  	s5 =	sshll.u32 s27, $0x1;
	_ =	strace $0x80000049;
	[dreg:$0x1] =	wrdreg $0xFFFFFFFF  }
0x1f: {  	s28 =	simm.s32 $_size_execute0_lowered;
	s3 =	sadd.s32 s3, s5;
	[dreg:$0x0] =	wrdreg $0x0  }
0x20: {  	s5 =	sshll.u32 s28, $0x1;
	[dreg:$0x2] =	wrdreg s3  }
0x21: {  	[dreg:$0x3] =	wrdreg s5  }
0x22: {  	[dreg:$0x4] =	wrdreg $0xC0  }
0x23: {  	_ =	task [dreg:s7], $0x5FFFF  }
0x24: {  	[dreg:$0x1] =	wrdreg $0xFFFFFFFF  }
0x25: {  	[dreg:$0x0] =	wrdreg $0x60  }
0x26: {  	[dreg:$0x2] =	wrdreg s25  }
0x27: {  	[dreg:$0x3] =	wrdreg s2  }
0x28: {  	[dreg:$0x4] =	wrdreg $0x9  }
0x29: {  	_ =	task.clear_ibuf [dreg:s7], $0x5FFFF;
	_ =	strace $0x90000049  }
0x2a: {  	s29 =	simm.s32 $0x9;
	_ =	strace $0x8000004B  }
0x2b: {  	_ =	swait.ge [sflag:s29], $0x1  }
0x2c: {  	[sflag:s29] =	ssyncadd.s32 $0xFFFFFFFF  }
0x2d: {  	_ =	strace $0x9000004B  }
0x2e: {  	_ =	sfence  }
0x2f: {  	s30 =	sld [smem:$0x0];
	_ =	sdelay $0x2  }
0x30: {  	s31 =	sshll.u32 s1, $0xD;
	s1 =	sshrl.u32 s1, $0x2  }
0x31: {  	s3 =	sand.u32 $0x4000, s31;
	s1 =	sadd.s32 s1, s30  }
0x32: {  	s0 =	sor.u32 s3, s0;
	s1 =	sshll.u32 s1, $0x11  }
0x33: {  	s0 =	sor.u32 s1, s0  }
0x34: {  	s0 =	sadd.s32 $0x8F2B, s0  }
0x35: {  	[sflag:s0] =	ssyncadd.remote.s32 $0x1  }
0x36: {  	_ =	sfence.sel $0xFFFF  }
0x37: {  	[dreg:$0x0] =	wrdreg $0xFFFFFFFF;
	(pc) =	sbr.abs _section_cstart, $3  }
0x38: {  	[dreg:$0x1] =	wrdreg $0xFFFFFFFF  }
0x39: {  	_ =	task.clear_ibuf [dreg:s7], $0x2FFFF;
	_ =	strace $0x9FFFFFFF  }
0x3a: {  	(tm) =	ssettm $0x7FFFFFFF  }
0x3b: {  	_ =	shalt  }
tec
execute0_lowered:
.L_overlay_start_1:
0x0: {  	(tag) =	ssettag $0x1  }
0x1: {  	s0 =	srdreg.scid;
	s5 =	rddreg [dreg:$0x0]  }
0x2: {  	s2 =	rddreg [dreg:$0x1];
	s1 =	sshll.u32 s0, $0x4  }
0x3: {  	s9 =	simm.s32 $0x2;
	s0 =	stileid.u32;
	s1 =	sand.u32 $0x10, s1  }
0x4: {  	s15 =	simm.s32 $0x0;
	s11 =	simm.s32 $0x400;
	s4 =	sor.u32 s0, s1  }
0x5: {  	s12 =	simm.s32 $0x8000;
	s16 =	simm.s32 $0x0;
	s3 =	sshll.u32 s4, $0x7  }
0x6: {  	s13 =	simm.s32 $0x0;
	s1 =	rddreg [dreg:$0x2];
	s6 =	ssub.s32 $0x1000, s3  }
0x7: {  	_ =	strace $0x8000004A;
	s8 =	sshll.u32 s4, $0xB;
	s7 =	sand.u32 $0xF80, s6  }
0x8: {  	s4 =	simm.s32 $0x1;
	p0 =	sne.s32 s7, $0x0;
	s7 =	simm.s32 $0x1  }
.Ltmp0:
0x9: {  	s6 =	sshrl.u32 s6, $0xC;
	s7 =	simm.s32 @!p0 $0x0;
	(pc) =	sbr.rel .LBB1_1-.Ltmp0, $4  }
0xa: {  	s14 =	simm.s32 $0x0;
	[sflag:s4] =	ssyncpa.u1 $0x0;
	s6 =	sadd.s32 s7, s6  }
0xb: {  	s10 =	sadd.s32 s8, s5;
	[sflag:s9] =	ssyncpa.u1 $0x0;
	s5 =	smul.u32 $0x32, s6  }
0xc: {  	s8 =	sadd.s32 $0x20A00, s10;
	s9 =	sadd.s32 $0x30A00, s10;
	p0 =	por $0x0, $0x0  }
0xd: {  	s7 =	sadd.s32 $0x10A00, s10;
	s6 =	sadd.s32 $0xA00, s10;
	s10 =	sor.u32 $0x1, s5  }
.LBB1_7:
0xe: {  	s17 =	sadd.s32 $0x4, s13  }
0xf: {  	p2 =	sgt.s32 s17, $0xC7  }
0x10: {  	s17 =	simm.s32 @p2 $0x0;
	p2 =	sne.s32 s14, s10  }
.Ltmp1:
0x11: {  	p1 =	slt.u32 s14, $0x2;
	(pc) =	sbr.rel @!p2 .LBB1_8-.Ltmp1, $4  }
0x12: {  	s15 =	simm.s32 @!p1 $0x2  }
0x13: {  	s18 =	sadd.s32 $0x1, s14;
	s16 =	smov.u32 s13;
	_ =	swait.ge @!p1 [sflag:s15], $0x4000  }
0x14: {  	p0 =	por !p0, !p0;
	s14 =	smov.u32 s18;
	[sflag:s15] =	ssyncset.done @!p1 $0x0  }
0x15: {  	s13 =	smov.u32 s17;
	[sflag:s15] =	ssyncadd.s32 @!p1 $0xFFFFC000;
	s15 =	smov.u32 s3  }
.LBB1_1:
0x16: {  	p1 =	sge.u32 s14, s5  }
0x17: {  	s17 =	sxor.u32 @!p1 $0xFFFFFFFF, s14  }
0x18: {  	s18 =	sshll.u32 @!p1 s13, $0x10;
	s20 =	simm.s32 @!p1 $0x20;
	s17 =	sshll.u32 @!p1 s17, $0xE  }
0x19: {  	s21 =	simm.s32 @!p1 $0x80;
	s19 =	sadd.s32 @!p1 s18, s6;
	s17 =	sand.u32 @!p1 $0x4000, s17  }
0x1a: {  	[tilespmem:s17], [sflag:$0x1] =	stream.strided.gather @!p1 [hbm4b:s19+s20], $0x1000, s21, s20, $0x38;
	[tilespmem:$0x10100] =	vst v63  }
0x1b: {  	s19 =	sadd.s32 @!p1 s18, s7;
	s22 =	sor.u32 @!p1 $0x1000, s17  }
0x1c: {  	[tilespmem:s22], [sflag:$0x1] =	stream.strided.gather @!p1 [hbm4b:s19+s20], $0x1000, s21, s20, $0x38;
	[tilespmem:$0x10100] =	vst v63  }
0x1d: {  	s19 =	sadd.s32 @!p1 s18, s8;
	s22 =	sor.u32 @!p1 $0x2000, s17  }
0x1e: {  	[tilespmem:s22], [sflag:$0x1] =	stream.strided.gather @!p1 [hbm4b:s19+s20], $0x1000, s21, s20, $0x38;
	[tilespmem:$0x10100] =	vst v63  }
0x1f: {  	s31 =	sadd.s32 $0xFFFFFFFF, s14;
	s18 =	sadd.s32 @!p1 s18, s9;
	s17 =	sor.u32 @!p1 $0x3000, s17  }
0x20: {  	[tilespmem:s17], [sflag:$0x1] =	stream.strided.gather @!p1 [hbm4b:s18+s20], $0x1000, s21, s20, $0x38;
	[tilespmem:$0x10100] =	vst v63  }
0x21: {  	p1 =	sge.u32 s31, s5  }
.Ltmp2:
0x22: {  	_ = 	snop;
	(pc) =	sbr.rel @p1 .LBB1_7-.Ltmp2, $1  }
0x23: {  	_ =	sdelay $0x3  }
0x24: {  	s18 =	simm.s32 $0x1;
	s19 =	sand.u32 $0x1, s14  }
0x25: {  	_ =	swait.ge [sflag:s4], $0x4000;
	s18 =	simm.s32 @!p0 $0x0;
	s20 =	smul.u32 $0x10200, s19  }
0x26: {  	[sflag:s4] =	ssyncset.done $0x0;
	s17 =	smul.u32 $0x10200, s18  }
0x27: {  	s18 =	sshll.u32 s18, $0xE;
	[sflag:s4] =	ssyncadd.s32 $0xFFFFC000  }
0x28: {  	s19 =	sor.u32 $0x10, s18;
	s31 =	sshrl.u32 s20, $0x2;
	s17 =	sshrl.u32 s17, $0x2  }
0x29: {  	s20 =	simm.s32 $0x0;
	s18 =	sor.u32 $0x8000, s31;
	s17 =	sor.u32 $0x8000, s17  }
.LBB1_3:
0x2a: {  	v1 =	vld [tilespmem:s19+$0x0]  }
0x2b: {  	v0 =	vld [tilespmem:s19+$0xFFFFFFF0];
	_ =	sdelay $0x2  }
0x2c: {  	s23 =	sadd.s32 $0x0, s17  }
0x2d: {  	s21 =	simm.s32 $0x4;
	s22 =	sadd.s32 $0x20, s19;
	[tilespmem:s23+$0x810 ss:$0x81] =	vst.msk $0xffff, v1  }
.LBB1_4:
0x2e: {  	v1 =	vld [tilespmem:s22+$0x0];
	p1 =	sne.s32 s21, $0x1FC;
	[tilespmem:s23+$0x0 ss:$0x81] =	vst.msk $0xffff, v0;
	s23 =	smov.u32 s21;
	s21 =	sadd.s32 $0x4, s21  }
.Ltmp3:
0x2f: {  	v0 =	vld [tilespmem:s22+$0xFFFFFFF0];
	(pc) =	sbr.rel @p1 .LBB1_4-.Ltmp3, $4  }
0x30: {  	_ = 	snop  }
0x31: {  	s23 =	sshra.s32 s23, $0x2  }
0x32: {  	s23 =	sadd.s32 s23, s17  }
0x33: {  	s22 =	sadd.s32 $0x20, s22;
	[tilespmem:s23+$0x810 ss:$0x81] =	vst.msk $0xffff, v1  }
0x34: {  	s20 =	sadd.s32 $0x1, s20  }
0x35: {  	p1 =	sne.s32 s20, $0x4  }
.Ltmp4:
0x36: {  	_ = 	snop;
	(pc) =	sbr.rel @p1 .LBB1_3-.Ltmp4, $2  }
0x37: {  	_ =	sdelay $0x2  }
0x38: {  	[tilespmem:s23+$0x0 ss:$0x81] =	vst.msk $0xffff, v0;
	s17 =	sadd.s32 $0x1020, s17;
	s19 =	sadd.s32 $0x1000, s19  }
.Ltmp5:
0x39: {  	(pc) =	sbr.rel .LBB1_7-.Ltmp5, $4  }
0x3a: {  	s16 =	sshll.u32 s16, $0xE  }
0x3b: {  	s16 =	sadd.s32 s2, s16  }
0x3c: {  	s15 =	sadd.s32 s15, s16  }
0x3d: {  	[hbm4b:s15+s11] =	stream.strided.scatter [tilespmem:s18], [sflag:$0x2], $0x4000, s12, s11, $0x20;
	[tilespmem:$0x10100] =	vst v63  }
.LBB1_8:
0x3e: {  	_ =	sfence.sel $0x180000  }
0x3f: {  	s2 =	simm.s32 $0x1;
	[bflag:$0x0] =	sbarrier.arrive $0xFFFF  }
0x40: {  	s31 =	simm.s32 $0x2;
	[sflag:s2] =	ssyncpa.u1 $0x1  }
0x41: {  	[sflag:s31] =	ssyncpa.u1 $0x1  }
0x42: {  	p0 =	sne.s32 s0, $0x0;
	_ =	strace $0x9000004A  }
0x43: {  	s0 =	sadd.s32 @!p0 $0x100000, s1;
	[bflag:$0x2] =	sbarrier.arrive $0xFFFF  }
0x44: {  	[sflag:s0] =	ssyncadd.tile.s32 @!p0 $0x1;
	_ =	shalt  }
.Lfunc_end1:
_tile_overlayer_lowered:
.L_overlay_start_2:
0x45: {  	(tag) =	ssettag $0x2  }
0x46: {  	s0 =	rddreg [dreg:$0x0];
	s2 =	stileid.u32  }
0x47: {  	s1 =	rddreg [dreg:$0x1];
	p0 =	sne.s32 s2, $0x0  }
0x48: {  	s3 =	rddreg [dreg:$0x2];
	[bflag:$0x3] =	sbarrier.arrive $0xFFFF;
	s2 =	simm.s32 @!p0 $0x1C01  }
0x49: {  	[timem:s3], [sflag:s2] =	dma.local @!p0 [hbm:s0], s1  }
0x4a: {  	s0 =	simm.s32 @!p0 $0x1  }
0x4b: {  	_ =	swait.ge @!p0 [sflag:s0], s1  }
0x4c: {  	s1 =	ssub.s32 @!p0 $0x0, s1;
	[sflag:s0] =	ssyncset.done @!p0 $0x0  }
0x4d: {  	[sflag:s0] =	ssyncadd.s32 @!p0 s1  }
0x4e: {  	[bflag:$0x3] =	sbarrier.arrive $0xFFFF  }
0x4f: {  	_ =	shalt  }

</sc_bundles>
